<compile_context>
chip_gen: v7x
topology: tpu7x:2x2x1
jax: 0.10.2.dev20260603
libtpu: 0.0.44.dev20260713+nightly
codegen_flags: <defaults>
</compile_context>

<pallas_src>
import functools

import jax
import jax.numpy as jnp
from jax import lax
from jax.experimental import pallas as pl
from jax.experimental.pallas import tpu as pltpu
from jax.experimental.pallas import tpu_sc as plsc

B, N, S = 16, 1, 32
RMS, ROPE = 512, 64
HALF = ROPE // 2
HID = RMS + ROPE
L = 4096
EPS = 1e-5

NC, NS = 2, 16
ROWS_PER_WORKER = B * S // (NC * NS)


def _compute_body(idx_smem, x_ref, e_ref, o_ref, c1_ref, c2_ref, s1_ref,
                  s2_ref, idxf_ref, idxc_ref, g_ref, kc_in_ref,
                  k_ref, v_ref, vs_ref, kc_out_ref, ks_scr, dma_sem):
    b = pl.program_id(0)

    x = x_ref[0]
    ms = jnp.mean(x * x, axis=-1, keepdims=True)
    v = x * lax.rsqrt(ms + EPS) * g_ref[...]

    e = e_ref[0]
    o = o_ref[0]
    kh1 = e * c1_ref[0] - o * s1_ref[0]
    kh2 = o * c2_ref[0] + e * s2_ref[0]
    k = jnp.concatenate([kh1, kh2], axis=-1)

    k_ref[0] = k
    v_ref[0] = v

    row = jnp.broadcast_to(idxf_ref[0], (S, S))
    col = jnp.broadcast_to(idxc_ref[0], (S, S))
    eq = col == row
    tpos = lax.broadcasted_iota(jnp.int32, (S, S), 1)
    last = jnp.max(jnp.where(eq, tpos, -1), axis=1, keepdims=True)
    p = (tpos == last).astype(jnp.float32)

    vs_ref[0] = lax.dot_general(p, v, (((1,), (0,)), ((), ())),
                                preferred_element_type=jnp.float32,
                                precision=lax.Precision.HIGHEST)

    ks_scr[...] = lax.dot_general(p, k, (((1,), (0,)), ((), ())),
                                  preferred_element_type=jnp.float32,
                                  precision=lax.Precision.HIGHEST)
    copies = []
    for s in range(S):
        r = idx_smem[b, s]
        cp = pltpu.make_async_copy(
            ks_scr.at[pl.ds(s, 1)], kc_out_ref.at[b, pl.ds(r, 1)], dma_sem)
        cp.start()
        copies.append(cp)
    for cp in copies:
        cp.wait()


@functools.cache
def _compute():
  return pl.pallas_call(
    _compute_body,
    grid=(B,),
    interpret=False,
    in_specs=[
        pl.BlockSpec(memory_space=pltpu.SMEM),
        pl.BlockSpec((1, S, RMS), lambda b: (b, 0, 0)),
        pl.BlockSpec((1, S, HALF), lambda b: (b, 0, 0)),
        pl.BlockSpec((1, S, HALF), lambda b: (b, 0, 0)),
        pl.BlockSpec((1, S, HALF), lambda b: (b, 0, 0)),
        pl.BlockSpec((1, S, HALF), lambda b: (b, 0, 0)),
        pl.BlockSpec((1, S, HALF), lambda b: (b, 0, 0)),
        pl.BlockSpec((1, S, HALF), lambda b: (b, 0, 0)),
        pl.BlockSpec((1, 1, S), lambda b: (b, 0, 0)),
        pl.BlockSpec((1, S, 1), lambda b: (b, 0, 0)),
        pl.BlockSpec((1, RMS), lambda b: (0, 0)),
        pl.BlockSpec(memory_space=pl.ANY),
    ],
    out_specs=[
        pl.BlockSpec((1, S, ROPE), lambda b: (b, 0, 0)),
        pl.BlockSpec((1, S, RMS), lambda b: (b, 0, 0)),
        pl.BlockSpec((1, S, RMS), lambda b: (b, 0, 0)),
        pl.BlockSpec(memory_space=pl.ANY),
    ],
    out_shape=[
        jax.ShapeDtypeStruct((B, S, ROPE), jnp.float32),
        jax.ShapeDtypeStruct((B, S, RMS), jnp.float32),
        jax.ShapeDtypeStruct((B, S, RMS), jnp.float32),
        jax.ShapeDtypeStruct((B, L, ROPE), jnp.float32),
    ],
    scratch_shapes=[
        pltpu.VMEM((S, ROPE), jnp.float32),
        pltpu.SemaphoreType.DMA,
    ],
    input_output_aliases={11: 3},
  )


def _scatter_body(v_hbm, idx_hbm, cc_ref, idx_v, gidx_v, vbuf, sem_v):
    c = lax.axis_index("c")
    s = lax.axis_index("s")
    b = s
    base = ROWS_PER_WORKER * c
    pltpu.sync_copy(idx_hbm.at[b, pl.ds(base, ROWS_PER_WORKER)], idx_v)
    pltpu.sync_copy(v_hbm.at[b, pl.ds(base, ROWS_PER_WORKER)], vbuf)
    gidx_v[...] = idx_v[...] + b * L
    pltpu.async_copy(vbuf, cc_ref.at[gidx_v], sem_v).wait()


@functools.cache
def _sc_scatter():
    return pl.kernel(
        _scatter_body,
        out_type=(),
        interpret=False,
        mesh=plsc.VectorSubcoreMesh(
            core_axis_name="c", subcore_axis_name="s",
            num_cores=NC, num_subcores=NS),
        scratch_types=[
            pltpu.VMEM((ROWS_PER_WORKER,), jnp.int32),
            pltpu.VMEM((ROWS_PER_WORKER,), jnp.int32),
            pltpu.VMEM((ROWS_PER_WORKER, RMS), jnp.float32),
            pltpu.SemaphoreType.DMA,
        ],
    )


def kernel(kv, gamma, cos, sin, index, k_cache, ckv_cache):
    kvs = kv.reshape(B, S, HID)
    x_rms = kvs[..., :RMS]
    rope = kvs[..., RMS:]
    rope_e = rope[..., 0::2]
    rope_o = rope[..., 1::2]
    cs = cos.reshape(B, S, ROPE)
    sn = sin.reshape(B, S, ROPE)
    idxf = index.astype(jnp.float32)

    k_vals, v_vals, v_scat, k_cache_out = _compute()(
        index, x_rms, rope_e, rope_o,
        cs[..., :HALF], cs[..., HALF:], sn[..., :HALF], sn[..., HALF:],
        idxf.reshape(B, 1, S), idxf.reshape(B, S, 1),
        gamma.reshape(1, RMS), k_cache.reshape(B, L, ROPE))

    ckv_ref = jax.new_ref(ckv_cache.reshape(B * L, RMS))
    _sc_scatter()(v_scat, index, ckv_ref)

    return (k_vals.reshape(B, N, S, ROPE),
            v_vals.reshape(B, N, S, RMS),
            k_cache_out.reshape(B, N, L, ROPE),
            ckv_ref[...].reshape(B, N, L, RMS))

# --- scband reference (transcript-rebuilt; emitter-appended) ---
"""Pipeline reference for scband-model-51453708206397 (READ-ONLY COPY).

The authoritative reference and input builder live on the scoring server;
editing this copy changes nothing except your own understanding.
"""

import jax, jax.numpy as jnp
import numpy as np

B, N, S = 16, 1, 32
RMS, ROPE = 512, 64
HID = RMS + ROPE
L = 4096
EPS = 1e-5


def setup_inputs(seed: int = 0):
    key = jax.random.key(seed)
    ks = jax.random.split(key, 7)
    kv = jax.random.normal(ks[0], (B, N, S, HID), dtype=jnp.float32)
    gamma = jax.random.normal(ks[1], (RMS,), dtype=jnp.float32)
    cos = jax.random.normal(ks[2], (B, N, S, ROPE), dtype=jnp.float32)
    sin = jax.random.normal(ks[3], (B, N, S, ROPE), dtype=jnp.float32)
    index = jax.random.randint(ks[4], (B, S), 0, L, dtype=jnp.int32)
    k_cache = jax.random.normal(ks[5], (B, N, L, ROPE), dtype=jnp.float32)
    ckv_cache = jax.random.normal(ks[6], (B, N, L, RMS), dtype=jnp.float32)
    return {"kv": kv, "gamma": gamma, "cos": cos, "sin": sin, "index": index, "k_cache": k_cache, "ckv_cache": ckv_cache}


def reference(kv, gamma, cos, sin, index, k_cache, ckv_cache):
    # cache_mode='Norm', index.dim()==2, no quantization scales/offsets
    Bs, Ns, Ss, hidden = kv.shape
    rms_size = gamma.shape[0]
    rope_size = hidden - rms_size

    # b n s d -> b s n d
    kv_t = jnp.transpose(kv, (0, 2, 1, 3)).astype(jnp.float32)
    cos_t = jnp.transpose(cos, (0, 2, 1, 3)).astype(jnp.float32)
    sin_t = jnp.transpose(sin, (0, 2, 1, 3)).astype(jnp.float32)

    rms_in = kv_t[..., :rms_size]
    rope_in = kv_t[..., rms_size:]

    rms_mean = jnp.mean(rms_in ** 2, axis=-1, keepdims=True)
    v = gamma.astype(jnp.float32) * (rms_in / jnp.sqrt(rms_mean + EPS))

    k = rope_in.reshape(Bs, Ss, Ns, rope_size // 2, 2)
    k = jnp.swapaxes(k, -1, -2).reshape(Bs, Ss, Ns, rope_size)
    k1 = k[..., :rope_size // 2]
    k2 = k[..., rope_size // 2:]
    rotate_half_k = jnp.concatenate((-k2, k1), axis=-1)

    k_embed = k * cos_t + rotate_half_k * sin_t

    v_out = jnp.transpose(v, (0, 2, 1, 3))
    k_embed_out = jnp.transpose(k_embed, (0, 2, 1, 3))

    # scatter-overwrite into caches: k_cache[b, :, index[b, s], :] = k_embed[b, s, :, :]
    bb = jnp.repeat(jnp.arange(Bs), Ss)
    ii = index.reshape(-1)
    k_vals = k_embed.reshape(Bs * Ss, Ns, rope_size)
    v_vals = v.reshape(Bs * Ss, Ns, rms_size)
    k_cache_out = k_cache.at[bb, :, ii, :].set(k_vals.astype(k_cache.dtype))
    ckv_cache_out = ckv_cache.at[bb, :, ii, :].set(v_vals.astype(ckv_cache.dtype))

    return k_embed_out, v_out, k_cache_out, ckv_cache_out

if __name__ == "__main__":
    import jax
    _d = setup_inputs()
    print(jax.jit(kernel)(*tuple(_d.values())))

</pallas_src>

<mosaic_0001>
#map = affine_map<(d0, d1) -> (0, 0, 0)>
#map1 = affine_map<(d0, d1) -> (0, 0)>
module attributes {stable_mosaic.version = 14 : i64} {
  func.func @new_body(%arg0: i32, %arg1: i32, %arg2: memref<16x32x512xf32, #tpu.memory_space<hbm>>, %arg3: memref<16x32xi32, #tpu.memory_space<hbm>>, %arg4: memref<65536x512xf32, #tpu.memory_space<hbm>>, %arg5: memref<65536x512xf32, #tpu.memory_space<hbm>>, %arg6: memref<16xi32, #tpu.memory_space<vmem>>, %arg7: memref<16xi32, #tpu.memory_space<vmem>>, %arg8: memref<16x512xf32, #tpu.memory_space<vmem>>, %arg9: memref<!tpu.dma_semaphore, #tpu.memory_space<semaphore_mem>>) attributes {dimension_semantics = [#tpu.dimension_semantics<core_parallel>, #tpu.dimension_semantics<subcore_parallel>], iteration_bounds = array<i64: 2, 16>, scalar_prefetch = 0 : i64, scratch_operands = 4 : i64, tpu.core_type = #tpu.core_type<sc_vector_subcore>, window_params = [{transform_indices = #map}, {transform_indices = #map1}, {transform_indices = #map1}, {transform_indices = #map1}]} {
    %mul3A = arith.constant 16 : i32
    %mul3A_0 = arith.muli %mul3A, %arg0 : i32
    "tpu.region"() ({
      %run_scoped3A = tpu.sem_alloc : memref<!tpu.dma_semaphore, #tpu.memory_space<semaphore_mem>>
      %dma_start3A_13 = tpu.memref_slice %arg3[%arg1, %mul3A_0] : memref<16x32xi32, #tpu.memory_space<hbm>> -> memref<1x16xi32, #tpu.memory_space<hbm>>
      %dma_start3A_14 = tpu.memref_squeeze %dma_start3A_13 : memref<1x16xi32, #tpu.memory_space<hbm>> -> memref<16xi32, #tpu.memory_space<hbm>>
      %dma_start3A_15 = tpu.memref_slice %arg3[%arg1, %mul3A_0] : memref<16x32xi32, #tpu.memory_space<hbm>> -> memref<1x16xi32, #tpu.memory_space<hbm>>
      %dma_start3A_16 = tpu.memref_squeeze %dma_start3A_15 : memref<1x16xi32, #tpu.memory_space<hbm>> -> memref<16xi32, #tpu.memory_space<hbm>>
      tpu.enqueue_dma source(%dma_start3A_16 : memref<16xi32, #tpu.memory_space<hbm>>) target(%arg6 : memref<16xi32, #tpu.memory_space<vmem>>) target_semaphore(%run_scoped3A : memref<!tpu.dma_semaphore, #tpu.memory_space<semaphore_mem>>)
      %dma_wait3A_17 = tpu.memref_slice %arg3[%arg1, %mul3A_0] : memref<16x32xi32, #tpu.memory_space<hbm>> -> memref<1x16xi32, #tpu.memory_space<hbm>>
      %dma_wait3A_18 = tpu.memref_squeeze %dma_wait3A_17 : memref<1x16xi32, #tpu.memory_space<hbm>> -> memref<16xi32, #tpu.memory_space<hbm>>
      %dma_wait3A_19 = tpu.memref_slice %arg3[%arg1, %mul3A_0] : memref<16x32xi32, #tpu.memory_space<hbm>> -> memref<1x16xi32, #tpu.memory_space<hbm>>
      %dma_wait3A_20 = tpu.memref_squeeze %dma_wait3A_19 : memref<1x16xi32, #tpu.memory_space<hbm>> -> memref<16xi32, #tpu.memory_space<hbm>>
      tpu.wait_dma2 semaphore(%run_scoped3A : memref<!tpu.dma_semaphore, #tpu.memory_space<semaphore_mem>>) src(%dma_wait3A_20 : memref<16xi32, #tpu.memory_space<hbm>>) dst(%arg6 : memref<16xi32, #tpu.memory_space<vmem>>)
      tpu.yield
    }) : () -> ()
    "tpu.region"() ({
      %run_scoped3A = tpu.sem_alloc : memref<!tpu.dma_semaphore, #tpu.memory_space<semaphore_mem>>
      %dma_start3A_13 = arith.constant 0 : i32
      %dma_start3A_14 = tpu.memref_slice %arg2[%arg1, %mul3A_0, %dma_start3A_13] : memref<16x32x512xf32, #tpu.memory_space<hbm>> -> memref<1x16x512xf32, #tpu.memory_space<hbm>>
      %dma_start3A_15 = tpu.memref_squeeze %dma_start3A_14 : memref<1x16x512xf32, #tpu.memory_space<hbm>> -> memref<16x512xf32, #tpu.memory_space<hbm>>
      %dma_start3A_16 = arith.constant 0 : i32
      %dma_start3A_17 = tpu.memref_slice %arg2[%arg1, %mul3A_0, %dma_start3A_16] : memref<16x32x512xf32, #tpu.memory_space<hbm>> -> memref<1x16x512xf32, #tpu.memory_space<hbm>>
      %dma_start3A_18 = tpu.memref_squeeze %dma_start3A_17 : memref<1x16x512xf32, #tpu.memory_space<hbm>> -> memref<16x512xf32, #tpu.memory_space<hbm>>
      tpu.enqueue_dma source(%dma_start3A_18 : memref<16x512xf32, #tpu.memory_space<hbm>>) target(%arg8 : memref<16x512xf32, #tpu.memory_space<vmem>>) target_semaphore(%run_scoped3A : memref<!tpu.dma_semaphore, #tpu.memory_space<semaphore_mem>>)
      %dma_wait3A_19 = arith.constant 0 : i32
      %dma_wait3A_20 = tpu.memref_slice %arg2[%arg1, %mul3A_0, %dma_wait3A_19] : memref<16x32x512xf32, #tpu.memory_space<hbm>> -> memref<1x16x512xf32, #tpu.memory_space<hbm>>
      %dma_wait3A_21 = tpu.memref_squeeze %dma_wait3A_20 : memref<1x16x512xf32, #tpu.memory_space<hbm>> -> memref<16x512xf32, #tpu.memory_space<hbm>>
      %dma_wait3A_22 = arith.constant 0 : i32
      %dma_wait3A_23 = tpu.memref_slice %arg2[%arg1, %mul3A_0, %dma_wait3A_22] : memref<16x32x512xf32, #tpu.memory_space<hbm>> -> memref<1x16x512xf32, #tpu.memory_space<hbm>>
      %dma_wait3A_24 = tpu.memref_squeeze %dma_wait3A_23 : memref<1x16x512xf32, #tpu.memory_space<hbm>> -> memref<16x512xf32, #tpu.memory_space<hbm>>
      tpu.wait_dma2 semaphore(%run_scoped3A : memref<!tpu.dma_semaphore, #tpu.memory_space<semaphore_mem>>) src(%dma_wait3A_24 : memref<16x512xf32, #tpu.memory_space<hbm>>) dst(%arg8 : memref<16x512xf32, #tpu.memory_space<vmem>>)
      tpu.yield
    }) : () -> ()
    %get3A = arith.constant 0 : index
    %get3A_1 = tpu.vector_load %arg6[%get3A] {strides = array<i32>} : memref<16xi32, #tpu.memory_space<vmem>>, vector<16xi32>,
    %get3A_2 = vector.shape_cast %get3A_1 : vector<16xi32> to vector<16xi32>
    %mul3A_3 = arith.constant 4096 : i32
    %mul3A_4 = arith.muli %arg1, %mul3A_3 : i32
    %add3A = vector.broadcast %mul3A_4 : i32 to vector<16xi32>
    %add3A_5 = arith.addi %get3A_2, %add3A : vector<16xi32>
    %swap3A = arith.constant 0 : index
    %swap3A_6 = tpu.vector_load %arg7[%swap3A] {strides = array<i32>} : memref<16xi32, #tpu.memory_space<vmem>>, vector<16xi32>,
    %swap3A_7 = vector.shape_cast %swap3A_6 : vector<16xi32> to vector<16xi32>
    %swap3A_8 = vector.shape_cast %add3A_5 : vector<16xi32> to vector<16xi32>
    tpu.vector_store %arg7[%swap3A], %swap3A_8 {strides = array<i32>} : memref<16xi32, #tpu.memory_space<vmem>>, vector<16xi32>,
    %dma_start3A = arith.constant 0 : i32
    %dma_start3A_9 = arith.constant 0 : i32
    %dma_start3A_10 = tpu.memref_slice %arg4[%dma_start3A, %dma_start3A_9] : memref<65536x512xf32, #tpu.memory_space<hbm>> -> memref<65536x512xf32, #tpu.memory_space<hbm>>
    tpu.enqueue_indirect_dma source(%arg8 : memref<16x512xf32, #tpu.memory_space<vmem>>) target(%dma_start3A_10 : memref<65536x512xf32, #tpu.memory_space<hbm>>) offsets(%arg7 : memref<16xi32, #tpu.memory_space<vmem>>) semaphore(%arg9 : memref<!tpu.dma_semaphore, #tpu.memory_space<semaphore_mem>>)
    %dma_wait3A = arith.constant 0 : i32
    %dma_wait3A_11 = arith.constant 0 : i32
    %dma_wait3A_12 = tpu.memref_slice %arg4[%dma_wait3A, %dma_wait3A_11] : memref<65536x512xf32, #tpu.memory_space<hbm>> -> memref<65536x512xf32, #tpu.memory_space<hbm>>
    tpu.wait_indirect_dma semaphore(%arg9 : memref<!tpu.dma_semaphore, #tpu.memory_space<semaphore_mem>>) src(%arg8 : memref<16x512xf32, #tpu.memory_space<vmem>>) dst(%dma_wait3A_12 : memref<65536x512xf32, #tpu.memory_space<hbm>>)
    return
  }
}

module attributes {stable_mosaic.version = 14 : i64} {
  func.func @_compute_body(%arg0: i32, %arg1: memref<16x32xi32, #tpu.memory_space<smem>>, %arg2: memref<1x32x512xf32, #tpu.memory_space<vmem>>, %arg3: memref<1x32x32xf32, #tpu.memory_space<vmem>>, %arg4: memref<1x32x32xf32, #tpu.memory_space<vmem>>, %arg5: memref<1x32x32xf32, #tpu.memory_space<vmem>>, %arg6: memref<1x32x32xf32, #tpu.memory_space<vmem>>, %arg7: memref<1x32x32xf32, #tpu.memory_space<vmem>>, %arg8: memref<1x32x32xf32, #tpu.memory_space<vmem>>, %arg9: memref<1x1x32xf32, #tpu.memory_space<vmem>>, %arg10: memref<1x32x1xf32, #tpu.memory_space<vmem>>, %arg11: memref<1x512xf32, #tpu.memory_space<vmem>>, %arg12: memref<16x4096x64xf32, #tpu.memory_space<any>>, %arg13: memref<1x32x64xf32, #tpu.memory_space<vmem>>, %arg14: memref<1x32x512xf32, #tpu.memory_space<vmem>>, %arg15: memref<1x32x512xf32, #tpu.memory_space<vmem>>, %arg16: memref<16x4096x64xf32, #tpu.memory_space<any>>, %arg17: memref<32x64xf32, #tpu.memory_space<vmem>>, %arg18: memref<!tpu.dma_semaphore, #tpu.memory_space<semaphore_mem>>) attributes {dimension_semantics = [#tpu.dimension_semantics<arbitrary>], iteration_bounds = array<i64: 16>, scalar_prefetch = 0 : i64, scratch_operands = 2 : i64, tpu.core_type = #tpu.core_type<tc>, window_params = [{transform_indices = @transform_0, window_bounds = array<i64: 16, 32>}, {transform_indices = @transform_1, window_bounds = array<i64: 1, 32, 512>}, {transform_indices = @transform_2, window_bounds = array<i64: 1, 32, 32>}, {transform_indices = @transform_3, window_bounds = array<i64: 1, 32, 32>}, {transform_indices = @transform_4, window_bounds = array<i64: 1, 32, 32>}, {transform_indices = @transform_5, window_bounds = array<i64: 1, 32, 32>}, {transform_indices = @transform_6, window_bounds = array<i64: 1, 32, 32>}, {transform_indices = @transform_7, window_bounds = array<i64: 1, 32, 32>}, {transform_indices = @transform_8, window_bounds = array<i64: 1, 1, 32>}, {transform_indices = @transform_9, window_bounds = array<i64: 1, 32, 1>}, {pipeline_mode = #tpu.pipeline_mode<synchronous>, transform_indices = @transform_10, window_bounds = array<i64: 1, 512>}, {}, {transform_indices = @transform_12, window_bounds = array<i64: 1, 32, 64>}, {transform_indices = @transform_13, window_bounds = array<i64: 1, 32, 512>}, {transform_indices = @transform_14, window_bounds = array<i64: 1, 32, 512>}, {}]} {
    %get3A = arith.constant 0 : index
    %get3A_0 = arith.constant 0 : index
    %get3A_1 = arith.constant 0 : index
    %get3A_2 = vector.load %arg2[%get3A, %get3A_0, %get3A_1] : memref<1x32x512xf32, #tpu.memory_space<vmem>>, vector<1x32x512xf32>
    %get3A_3 = vector.shape_cast %get3A_2 : vector<1x32x512xf32> to vector<32x512xf32>
    %mul3A = arith.mulf %get3A_3, %get3A_3 : vector<32x512xf32>
    %reduce_sum3A = arith.constant dense<0.000000e+00> : vector<32xf32>
    %reduce_sum3A_4 = vector.multi_reduction <add>, %mul3A, %reduce_sum3A [1] : vector<32x512xf32> to vector<32xf32>
    %broadcast_in_dim3A = vector.shape_cast %reduce_sum3A_4 : vector<32xf32> to vector<32x1xf32>
    %div3A = arith.constant 5.120000e+02 : f32
    %div3A_5 = vector.broadcast %div3A : f32 to vector<32x1xf32>
    %div3A_6 = arith.divf %broadcast_in_dim3A, %div3A_5 : vector<32x1xf32>
    %add3A = arith.constant 9.99999974E-6 : f32
    %add3A_7 = vector.broadcast %add3A : f32 to vector<32x1xf32>
    %add3A_8 = arith.addf %div3A_6, %add3A_7 : vector<32x1xf32>
    %rsqrt3A = math.rsqrt %add3A_8 : vector<32x1xf32>
    %mul3A_9 = vector.broadcast %rsqrt3A : vector<32x1xf32> to vector<32x512xf32>
    %mul3A_10 = arith.mulf %get3A_3, %mul3A_9 : vector<32x512xf32>
    %get3A_11 = arith.constant 0 : index
    %get3A_12 = arith.constant 0 : index
    %get3A_13 = vector.load %arg11[%get3A_11, %get3A_12] : memref<1x512xf32, #tpu.memory_space<vmem>>, vector<1x512xf32>
    %mul3A_14 = vector.broadcast %get3A_13 : vector<1x512xf32> to vector<32x512xf32>
    %mul3A_15 = arith.mulf %mul3A_10, %mul3A_14 : vector<32x512xf32>
    %get3A_16 = arith.constant 0 : index
    %get3A_17 = arith.constant 0 : index
    %get3A_18 = arith.constant 0 : index
    %get3A_19 = vector.load %arg3[%get3A_16, %get3A_17, %get3A_18] : memref<1x32x32xf32, #tpu.memory_space<vmem>>, vector<1x32x32xf32>
    %get3A_20 = vector.shape_cast %get3A_19 : vector<1x32x32xf32> to vector<32x32xf32>
    %get3A_21 = arith.constant 0 : index
    %get3A_22 = arith.constant 0 : index
    %get3A_23 = arith.constant 0 : index
    %get3A_24 = vector.load %arg4[%get3A_21, %get3A_22, %get3A_23] : memref<1x32x32xf32, #tpu.memory_space<vmem>>, vector<1x32x32xf32>
    %get3A_25 = vector.shape_cast %get3A_24 : vector<1x32x32xf32> to vector<32x32xf32>
    %get3A_26 = arith.constant 0 : index
    %get3A_27 = arith.constant 0 : index
    %get3A_28 = arith.constant 0 : index
    %get3A_29 = vector.load %arg5[%get3A_26, %get3A_27, %get3A_28] : memref<1x32x32xf32, #tpu.memory_space<vmem>>, vector<1x32x32xf32>
    %get3A_30 = vector.shape_cast %get3A_29 : vector<1x32x32xf32> to vector<32x32xf32>
    %mul3A_31 = arith.mulf %get3A_20, %get3A_30 : vector<32x32xf32>
    %get3A_32 = arith.constant 0 : index
    %get3A_33 = arith.constant 0 : index
    %get3A_34 = arith.constant 0 : index
    %get3A_35 = vector.load %arg7[%get3A_32, %get3A_33, %get3A_34] : memref<1x32x32xf32, #tpu.memory_space<vmem>>, vector<1x32x32xf32>
    %get3A_36 = vector.shape_cast %get3A_35 : vector<1x32x32xf32> to vector<32x32xf32>
    %mul3A_37 = arith.mulf %get3A_25, %get3A_36 : vector<32x32xf32>
    %sub3A = arith.subf %mul3A_31, %mul3A_37 : vector<32x32xf32>
    %get3A_38 = arith.constant 0 : index
    %get3A_39 = arith.constant 0 : index
    %get3A_40 = arith.constant 0 : index
    %get3A_41 = vector.load %arg6[%get3A_38, %get3A_39, %get3A_40] : memref<1x32x32xf32, #tpu.memory_space<vmem>>, vector<1x32x32xf32>
    %get3A_42 = vector.shape_cast %get3A_41 : vector<1x32x32xf32> to vector<32x32xf32>
    %mul3A_43 = arith.mulf %get3A_25, %get3A_42 : vector<32x32xf32>
    %get3A_44 = arith.constant 0 : index
    %get3A_45 = arith.constant 0 : index
    %get3A_46 = arith.constant 0 : index
    %get3A_47 = vector.load %arg8[%get3A_44, %get3A_45, %get3A_46] : memref<1x32x32xf32, #tpu.memory_space<vmem>>, vector<1x32x32xf32>
    %get3A_48 = vector.shape_cast %get3A_47 : vector<1x32x32xf32> to vector<32x32xf32>
    %mul3A_49 = arith.mulf %get3A_20, %get3A_48 : vector<32x32xf32>
    %add3A_50 = arith.addf %mul3A_43, %mul3A_49 : vector<32x32xf32>
    %concatenate3A = tpu.concatenate %sub3A, %add3A_50 in 1 : vector<32x32xf32>, vector<32x32xf32> -> vector<32x64xf32>
    %swap3A = arith.constant 0 : index
    %swap3A_51 = arith.constant 0 : index
    %swap3A_52 = arith.constant 0 : index
    %swap3A_53 = vector.load %arg13[%swap3A, %swap3A_51, %swap3A_52] : memref<1x32x64xf32, #tpu.memory_space<vmem>>, vector<1x32x64xf32>
    %swap3A_54 = vector.shape_cast %swap3A_53 : vector<1x32x64xf32> to vector<32x64xf32>
    %swap3A_55 = vector.shape_cast %concatenate3A : vector<32x64xf32> to vector<1x32x64xf32>
    tpu.vector_store %arg13[%swap3A, %swap3A_51, %swap3A_52], %swap3A_55 {strides = array<i32>} : memref<1x32x64xf32, #tpu.memory_space<vmem>>, vector<1x32x64xf32>,
    %swap3A_56 = arith.constant 0 : index
    %swap3A_57 = arith.constant 0 : index
    %swap3A_58 = arith.constant 0 : index
    %swap3A_59 = vector.load %arg14[%swap3A_56, %swap3A_57, %swap3A_58] : memref<1x32x512xf32, #tpu.memory_space<vmem>>, vector<1x32x512xf32>
    %swap3A_60 = vector.shape_cast %swap3A_59 : vector<1x32x512xf32> to vector<32x512xf32>
    %swap3A_61 = vector.shape_cast %mul3A_15 : vector<32x512xf32> to vector<1x32x512xf32>
    tpu.vector_store %arg14[%swap3A_56, %swap3A_57, %swap3A_58], %swap3A_61 {strides = array<i32>} : memref<1x32x512xf32, #tpu.memory_space<vmem>>, vector<1x32x512xf32>,
    %get3A_62 = arith.constant 0 : index
    %get3A_63 = arith.constant 0 : index
    %get3A_64 = arith.constant 0 : index
    %get3A_65 = vector.load %arg9[%get3A_62, %get3A_63, %get3A_64] : memref<1x1x32xf32, #tpu.memory_space<vmem>>, vector<1x1x32xf32>
    %get3A_66 = vector.shape_cast %get3A_65 : vector<1x1x32xf32> to vector<1x32xf32>
    %broadcast_in_dim3A_67 = vector.shape_cast %get3A_66 : vector<1x32xf32> to vector<1x32xf32>
    %broadcast_in_dim3A_68 = vector.broadcast %broadcast_in_dim3A_67 : vector<1x32xf32> to vector<32x32xf32>
    %get3A_69 = arith.constant 0 : index
    %get3A_70 = arith.constant 0 : index
    %get3A_71 = arith.constant 0 : index
    %get3A_72 = vector.load %arg10[%get3A_69, %get3A_70, %get3A_71] : memref<1x32x1xf32, #tpu.memory_space<vmem>>, vector<1x32x1xf32>
    %get3A_73 = vector.shape_cast %get3A_72 : vector<1x32x1xf32> to vector<32x1xf32>
    %broadcast_in_dim3A_74 = vector.shape_cast %get3A_73 : vector<32x1xf32> to vector<32x1xf32>
    %broadcast_in_dim3A_75 = vector.broadcast %broadcast_in_dim3A_74 : vector<32x1xf32> to vector<32x32xf32>
    %eq3A = arith.cmpf oeq, %broadcast_in_dim3A_75, %broadcast_in_dim3A_68 : vector<32x32xf32>
    %iota3A = tpu.iota {dimensions = array<i32: 1>} : vector<32x32xi32>
    %jit3A = arith.constant -1 : i32
    %broadcast_in_dim3A_76 = vector.broadcast %jit3A : i32 to vector<32x32xi32>
    %select_n3A = arith.select %eq3A, %iota3A, %broadcast_in_dim3A_76 : vector<32x32xi1>, vector<32x32xi32>
    %reduce_max3A = arith.constant dense<-2147483648> : vector<32xi32>
    %reduce_max3A_77 = vector.multi_reduction <maxsi>, %select_n3A, %reduce_max3A [1] : vector<32x32xi32> to vector<32xi32>
    %broadcast_in_dim3A_78 = vector.shape_cast %reduce_max3A_77 : vector<32xi32> to vector<32x1xi32>
    %eq3A_79 = vector.broadcast %broadcast_in_dim3A_78 : vector<32x1xi32> to vector<32x32xi32>
    %eq3A_80 = arith.cmpi eq, %iota3A, %eq3A_79 : vector<32x32xi32>
    %convert_element_type3A = arith.extui %eq3A_80 : vector<32x32xi1> to vector<32x32xi32>
    %convert_element_type3A_81 = arith.sitofp %convert_element_type3A : vector<32x32xi32> to vector<32x32xf32>
    %dot_general3A = arith.constant dense<0.000000e+00> : vector<32x512xf32>
    %dot_general3A_82 = tpu.matmul %convert_element_type3A_81, %mul3A_15, %dot_general3A {dimension_numbers = #tpu.dot_dimension_numbers<[1], [0], [0], [1], [0, 0, 1, 1], [], []>, precision = #tpu.contract_precision<fp32>, transpose_lhs_hint = false} : vector<32x32xf32>, vector<32x512xf32>, vector<32x512xf32> -> vector<32x512xf32>
    %swap3A_83 = arith.constant 0 : index
    %swap3A_84 = arith.constant 0 : index
    %swap3A_85 = arith.constant 0 : index
    %swap3A_86 = vector.load %arg15[%swap3A_83, %swap3A_84, %swap3A_85] : memref<1x32x512xf32, #tpu.memory_space<vmem>>, vector<1x32x512xf32>
    %swap3A_87 = vector.shape_cast %swap3A_86 : vector<1x32x512xf32> to vector<32x512xf32>
    %swap3A_88 = vector.shape_cast %dot_general3A_82 : vector<32x512xf32> to vector<1x32x512xf32>
    tpu.vector_store %arg15[%swap3A_83, %swap3A_84, %swap3A_85], %swap3A_88 {strides = array<i32>} : memref<1x32x512xf32, #tpu.memory_space<vmem>>, vector<1x32x512xf32>,
    %dot_general3A_89 = arith.constant dense<0.000000e+00> : vector<32x64xf32>
    %dot_general3A_90 = tpu.matmul %convert_element_type3A_81, %concatenate3A, %dot_general3A_89 {dimension_numbers = #tpu.dot_dimension_numbers<[1], [0], [0], [1], [0, 0, 1, 1], [], []>, precision = #tpu.contract_precision<fp32>, transpose_lhs_hint = false} : vector<32x32xf32>, vector<32x64xf32>, vector<32x64xf32> -> vector<32x64xf32>
    %swap3A_91 = arith.constant 0 : index
    %swap3A_92 = arith.constant 0 : index
    %swap3A_93 = vector.load %arg17[%swap3A_91, %swap3A_92] : memref<32x64xf32, #tpu.memory_space<vmem>>, vector<32x64xf32>
    tpu.vector_store %arg17[%swap3A_91, %swap3A_92], %dot_general3A_90 {strides = array<i32>} : memref<32x64xf32, #tpu.memory_space<vmem>>, vector<32x64xf32>,
    %get3A_94 = arith.index_cast %arg0 : i32 to index
    %get3A_95 = arith.constant 0 : index
    %get3A_96 = memref.load %arg1[%get3A_94, %get3A_95] : memref<16x32xi32, #tpu.memory_space<smem>>
    %dma_start3A = arith.constant 0 : i32
    %dma_start3A_97 = tpu.memref_slice %arg16[%arg0, %get3A_96, %dma_start3A] : memref<16x4096x64xf32, #tpu.memory_space<any>> -> memref<1x1x64xf32, #tpu.memory_space<any>>
    %dma_start3A_98 = tpu.memref_squeeze %dma_start3A_97 : memref<1x1x64xf32, #tpu.memory_space<any>> -> memref<1x64xf32, #tpu.memory_space<any>>
    %dma_start3A_99 = arith.constant 0 : i32
    %dma_start3A_100 = arith.constant 0 : i32
    %dma_start3A_101 = tpu.memref_slice %arg17[%dma_start3A_99, %dma_start3A_100] : memref<32x64xf32, #tpu.memory_space<vmem>> -> memref<1x64xf32, #tpu.memory_space<vmem>>
    tpu.enqueue_dma source(%dma_start3A_101 : memref<1x64xf32, #tpu.memory_space<vmem>>) target(%dma_start3A_98 : memref<1x64xf32, #tpu.memory_space<any>>) target_semaphore(%arg18 : memref<!tpu.dma_semaphore, #tpu.memory_space<semaphore_mem>>)
    %get3A_102 = arith.index_cast %arg0 : i32 to index
    %get3A_103 = arith.constant 1 : index
    %get3A_104 = memref.load %arg1[%get3A_102, %get3A_103] : memref<16x32xi32, #tpu.memory_space<smem>>
    %dma_start3A_105 = arith.constant 0 : i32
    %dma_start3A_106 = tpu.memref_slice %arg16[%arg0, %get3A_104, %dma_start3A_105] : memref<16x4096x64xf32, #tpu.memory_space<any>> -> memref<1x1x64xf32, #tpu.memory_space<any>>
    %dma_start3A_107 = tpu.memref_squeeze %dma_start3A_106 : memref<1x1x64xf32, #tpu.memory_space<any>> -> memref<1x64xf32, #tpu.memory_space<any>>
    %dma_start3A_108 = arith.constant 1 : i32
    %dma_start3A_109 = arith.constant 0 : i32
    %dma_start3A_110 = tpu.memref_slice %arg17[%dma_start3A_108, %dma_start3A_109] : memref<32x64xf32, #tpu.memory_space<vmem>> -> memref<1x64xf32, #tpu.memory_space<vmem>>
    tpu.enqueue_dma source(%dma_start3A_110 : memref<1x64xf32, #tpu.memory_space<vmem>>) target(%dma_start3A_107 : memref<1x64xf32, #tpu.memory_space<any>>) target_semaphore(%arg18 : memref<!tpu.dma_semaphore, #tpu.memory_space<semaphore_mem>>)
    %get3A_111 = arith.index_cast %arg0 : i32 to index
    %get3A_112 = arith.constant 2 : index
    %get3A_113 = memref.load %arg1[%get3A_111, %get3A_112] : memref<16x32xi32, #tpu.memory_space<smem>>
    %dma_start3A_114 = arith.constant 0 : i32
    %dma_start3A_115 = tpu.memref_slice %arg16[%arg0, %get3A_113, %dma_start3A_114] : memref<16x4096x64xf32, #tpu.memory_space<any>> -> memref<1x1x64xf32, #tpu.memory_space<any>>
    %dma_start3A_116 = tpu.memref_squeeze %dma_start3A_115 : memref<1x1x64xf32, #tpu.memory_space<any>> -> memref<1x64xf32, #tpu.memory_space<any>>
    %dma_start3A_117 = arith.constant 2 : i32
    %dma_start3A_118 = arith.constant 0 : i32
    %dma_start3A_119 = tpu.memref_slice %arg17[%dma_start3A_117, %dma_start3A_118] : memref<32x64xf32, #tpu.memory_space<vmem>> -> memref<1x64xf32, #tpu.memory_space<vmem>>
    tpu.enqueue_dma source(%dma_start3A_119 : memref<1x64xf32, #tpu.memory_space<vmem>>) target(%dma_start3A_116 : memref<1x64xf32, #tpu.memory_space<any>>) target_semaphore(%arg18 : memref<!tpu.dma_semaphore, #tpu.memory_space<semaphore_mem>>)
    %get3A_120 = arith.index_cast %arg0 : i32 to index
    %get3A_121 = arith.constant 3 : index
    %get3A_122 = memref.load %arg1[%get3A_120, %get3A_121] : memref<16x32xi32, #tpu.memory_space<smem>>
    %dma_start3A_123 = arith.constant 0 : i32
    %dma_start3A_124 = tpu.memref_slice %arg16[%arg0, %get3A_122, %dma_start3A_123] : memref<16x4096x64xf32, #tpu.memory_space<any>> -> memref<1x1x64xf32, #tpu.memory_space<any>>
    %dma_start3A_125 = tpu.memref_squeeze %dma_start3A_124 : memref<1x1x64xf32, #tpu.memory_space<any>> -> memref<1x64xf32, #tpu.memory_space<any>>
    %dma_start3A_126 = arith.constant 3 : i32
    %dma_start3A_127 = arith.constant 0 : i32
    %dma_start3A_128 = tpu.memref_slice %arg17[%dma_start3A_126, %dma_start3A_127] : memref<32x64xf32, #tpu.memory_space<vmem>> -> memref<1x64xf32, #tpu.memory_space<vmem>>
    tpu.enqueue_dma source(%dma_start3A_128 : memref<1x64xf32, #tpu.memory_space<vmem>>) target(%dma_start3A_125 : memref<1x64xf32, #tpu.memory_space<any>>) target_semaphore(%arg18 : memref<!tpu.dma_semaphore, #tpu.memory_space<semaphore_mem>>)
    %get3A_129 = arith.index_cast %arg0 : i32 to index
    %get3A_130 = arith.constant 4 : index
    %get3A_131 = memref.load %arg1[%get3A_129, %get3A_130] : memref<16x32xi32, #tpu.memory_space<smem>>
    %dma_start3A_132 = arith.constant 0 : i32
    %dma_start3A_133 = tpu.memref_slice %arg16[%arg0, %get3A_131, %dma_start3A_132] : memref<16x4096x64xf32, #tpu.memory_space<any>> -> memref<1x1x64xf32, #tpu.memory_space<any>>
    %dma_start3A_134 = tpu.memref_squeeze %dma_start3A_133 : memref<1x1x64xf32, #tpu.memory_space<any>> -> memref<1x64xf32, #tpu.memory_space<any>>
    %dma_start3A_135 = arith.constant 4 : i32
    %dma_start3A_136 = arith.constant 0 : i32
    %dma_start3A_137 = tpu.memref_slice %arg17[%dma_start3A_135, %dma_start3A_136] : memref<32x64xf32, #tpu.memory_space<vmem>> -> memref<1x64xf32, #tpu.memory_space<vmem>>
    tpu.enqueue_dma source(%dma_start3A_137 : memref<1x64xf32, #tpu.memory_space<vmem>>) target(%dma_start3A_134 : memref<1x64xf32, #tpu.memory_space<any>>) target_semaphore(%arg18 : memref<!tpu.dma_semaphore, #tpu.memory_space<semaphore_mem>>)
    %get3A_138 = arith.index_cast %arg0 : i32 to index
    %get3A_139 = arith.constant 5 : index
    %get3A_140 = memref.load %arg1[%get3A_138, %get3A_139] : memref<16x32xi32, #tpu.memory_space<smem>>
    %dma_start3A_141 = arith.constant 0 : i32
    %dma_start3A_142 = tpu.memref_slice %arg16[%arg0, %get3A_140, %dma_start3A_141] : memref<16x4096x64xf32, #tpu.memory_space<any>> -> memref<1x1x64xf32, #tpu.memory_space<any>>
    %dma_start3A_143 = tpu.memref_squeeze %dma_start3A_142 : memref<1x1x64xf32, #tpu.memory_space<any>> -> memref<1x64xf32, #tpu.memory_space<any>>
    %dma_start3A_144 = arith.constant 5 : i32
    %dma_start3A_145 = arith.constant 0 : i32
    %dma_start3A_146 = tpu.memref_slice %arg17[%dma_start3A_144, %dma_start3A_145] : memref<32x64xf32, #tpu.memory_space<vmem>> -> memref<1x64xf32, #tpu.memory_space<vmem>>
    tpu.enqueue_dma source(%dma_start3A_146 : memref<1x64xf32, #tpu.memory_space<vmem>>) target(%dma_start3A_143 : memref<1x64xf32, #tpu.memory_space<any>>) target_semaphore(%arg18 : memref<!tpu.dma_semaphore, #tpu.memory_space<semaphore_mem>>)
    %get3A_147 = arith.index_cast %arg0 : i32 to index
    %get3A_148 = arith.constant 6 : index
    %get3A_149 = memref.load %arg1[%get3A_147, %get3A_148] : memref<16x32xi32, #tpu.memory_space<smem>>
    %dma_start3A_150 = arith.constant 0 : i32
    %dma_start3A_151 = tpu.memref_slice %arg16[%arg0, %get3A_149, %dma_start3A_150] : memref<16x4096x64xf32, #tpu.memory_space<any>> -> memref<1x1x64xf32, #tpu.memory_space<any>>
    %dma_start3A_152 = tpu.memref_squeeze %dma_start3A_151 : memref<1x1x64xf32, #tpu.memory_space<any>> -> memref<1x64xf32, #tpu.memory_space<any>>
    %dma_start3A_153 = arith.constant 6 : i32
    %dma_start3A_154 = arith.constant 0 : i32
    %dma_start3A_155 = tpu.memref_slice %arg17[%dma_start3A_153, %dma_start3A_154] : memref<32x64xf32, #tpu.memory_space<vmem>> -> memref<1x64xf32, #tpu.memory_space<vmem>>
    tpu.enqueue_dma source(%dma_start3A_155 : memref<1x64xf32, #tpu.memory_space<vmem>>) target(%dma_start3A_152 : memref<1x64xf32, #tpu.memory_space<any>>) target_semaphore(%arg18 : memref<!tpu.dma_semaphore, #tpu.memory_space<semaphore_mem>>)
    %get3A_156 = arith.index_cast %arg0 : i32 to index
    %get3A_157 = arith.constant 7 : index
    %get3A_158 = memref.load %arg1[%get3A_156, %get3A_157] : memref<16x32xi32, #tpu.memory_space<smem>>
    %dma_start3A_159 = arith.constant 0 : i32
    %dma_start3A_160 = tpu.memref_slice %arg16[%arg0, %get3A_158, %dma_start3A_159] : memref<16x4096x64xf32, #tpu.memory_space<any>> -> memref<1x1x64xf32, #tpu.memory_space<any>>
    %dma_start3A_161 = tpu.memref_squeeze %dma_start3A_160 : memref<1x1x64xf32, #tpu.memory_space<any>> -> memref<1x64xf32, #tpu.memory_space<any>>
    %dma_start3A_162 = arith.constant 7 : i32
    %dma_start3A_163 = arith.constant 0 : i32
    %dma_start3A_164 = tpu.memref_slice %arg17[%dma_start3A_162, %dma_start3A_163] : memref<32x64xf32, #tpu.memory_space<vmem>> -> memref<1x64xf32, #tpu.memory_space<vmem>>
    tpu.enqueue_dma source(%dma_start3A_164 : memref<1x64xf32, #tpu.memory_space<vmem>>) target(%dma_start3A_161 : memref<1x64xf32, #tpu.memory_space<any>>) target_semaphore(%arg18 : memref<!tpu.dma_semaphore, #tpu.memory_space<semaphore_mem>>)
    %get3A_165 = arith.index_cast %arg0 : i32 to index
    %get3A_166 = arith.constant 8 : index
    %get3A_167 = memref.load %arg1[%get3A_165, %get3A_166] : memref<16x32xi32, #tpu.memory_space<smem>>
    %dma_start3A_168 = arith.constant 0 : i32
    %dma_start3A_169 = tpu.memref_slice %arg16[%arg0, %get3A_167, %dma_start3A_168] : memref<16x4096x64xf32, #tpu.memory_space<any>> -> memref<1x1x64xf32, #tpu.memory_space<any>>
    %dma_start3A_170 = tpu.memref_squeeze %dma_start3A_169 : memref<1x1x64xf32, #tpu.memory_space<any>> -> memref<1x64xf32, #tpu.memory_space<any>>
    %dma_start3A_171 = arith.constant 8 : i32
    %dma_start3A_172 = arith.constant 0 : i32
    %dma_start3A_173 = tpu.memref_slice %arg17[%dma_start3A_171, %dma_start3A_172] : memref<32x64xf32, #tpu.memory_space<vmem>> -> memref<1x64xf32, #tpu.memory_space<vmem>>
    tpu.enqueue_dma source(%dma_start3A_173 : memref<1x64xf32, #tpu.memory_space<vmem>>) target(%dma_start3A_170 : memref<1x64xf32, #tpu.memory_space<any>>) target_semaphore(%arg18 : memref<!tpu.dma_semaphore, #tpu.memory_space<semaphore_mem>>)
    %get3A_174 = arith.index_cast %arg0 : i32 to index
    %get3A_175 = arith.constant 9 : index
    %get3A_176 = memref.load %arg1[%get3A_174, %get3A_175] : memref<16x32xi32, #tpu.memory_space<smem>>
    %dma_start3A_177 = arith.constant 0 : i32
    %dma_start3A_178 = tpu.memref_slice %arg16[%arg0, %get3A_176, %dma_start3A_177] : memref<16x4096x64xf32, #tpu.memory_space<any>> -> memref<1x1x64xf32, #tpu.memory_space<any>>
    %dma_start3A_179 = tpu.memref_squeeze %dma_start3A_178 : memref<1x1x64xf32, #tpu.memory_space<any>> -> memref<1x64xf32, #tpu.memory_space<any>>
    %dma_start3A_180 = arith.constant 9 : i32
    %dma_start3A_181 = arith.constant 0 : i32
    %dma_start3A_182 = tpu.memref_slice %arg17[%dma_start3A_180, %dma_start3A_181] : memref<32x64xf32, #tpu.memory_space<vmem>> -> memref<1x64xf32, #tpu.memory_space<vmem>>
    tpu.enqueue_dma source(%dma_start3A_182 : memref<1x64xf32, #tpu.memory_space<vmem>>) target(%dma_start3A_179 : memref<1x64xf32, #tpu.memory_space<any>>) target_semaphore(%arg18 : memref<!tpu.dma_semaphore, #tpu.memory_space<semaphore_mem>>)
    %get3A_183 = arith.index_cast %arg0 : i32 to index
    %get3A_184 = arith.constant 10 : index
    %get3A_185 = memref.load %arg1[%get3A_183, %get3A_184] : memref<16x32xi32, #tpu.memory_space<smem>>
    %dma_start3A_186 = arith.constant 0 : i32
    %dma_start3A_187 = tpu.memref_slice %arg16[%arg0, %get3A_185, %dma_start3A_186] : memref<16x4096x64xf32, #tpu.memory_space<any>> -> memref<1x1x64xf32, #tpu.memory_space<any>>
    %dma_start3A_188 = tpu.memref_squeeze %dma_start3A_187 : memref<1x1x64xf32, #tpu.memory_space<any>> -> memref<1x64xf32, #tpu.memory_space<any>>
    %dma_start3A_189 = arith.constant 10 : i32
    %dma_start3A_190 = arith.constant 0 : i32
    %dma_start3A_191 = tpu.memref_slice %arg17[%dma_start3A_189, %dma_start3A_190] : memref<32x64xf32, #tpu.memory_space<vmem>> -> memref<1x64xf32, #tpu.memory_space<vmem>>
    tpu.enqueue_dma source(%dma_start3A_191 : memref<1x64xf32, #tpu.memory_space<vmem>>) target(%dma_start3A_188 : memref<1x64xf32, #tpu.memory_space<any>>) target_semaphore(%arg18 : memref<!tpu.dma_semaphore, #tpu.memory_space<semaphore_mem>>)
    %get3A_192 = arith.index_cast %arg0 : i32 to index
    %get3A_193 = arith.constant 11 : index
    %get3A_194 = memref.load %arg1[%get3A_192, %get3A_193] : memref<16x32xi32, #tpu.memory_space<smem>>
    %dma_start3A_195 = arith.constant 0 : i32
    %dma_start3A_196 = tpu.memref_slice %arg16[%arg0, %get3A_194, %dma_start3A_195] : memref<16x4096x64xf32, #tpu.memory_space<any>> -> memref<1x1x64xf32, #tpu.memory_space<any>>
    %dma_start3A_197 = tpu.memref_squeeze %dma_start3A_196 : memref<1x1x64xf32, #tpu.memory_space<any>> -> memref<1x64xf32, #tpu.memory_space<any>>
    %dma_start3A_198 = arith.constant 11 : i32
    %dma_start3A_199 = arith.constant 0 : i32
    %dma_start3A_200 = tpu.memref_slice %arg17[%dma_start3A_198, %dma_start3A_199] : memref<32x64xf32, #tpu.memory_space<vmem>> -> memref<1x64xf32, #tpu.memory_space<vmem>>
    tpu.enqueue_dma source(%dma_start3A_200 : memref<1x64xf32, #tpu.memory_space<vmem>>) target(%dma_start3A_197 : memref<1x64xf32, #tpu.memory_space<any>>) target_semaphore(%arg18 : memref<!tpu.dma_semaphore, #tpu.memory_space<semaphore_mem>>)
    %get3A_201 = arith.index_cast %arg0 : i32 to index
    %get3A_202 = arith.constant 12 : index
    %get3A_203 = memref.load %arg1[%get3A_201, %get3A_202] : memref<16x32xi32, #tpu.memory_space<smem>>
    %dma_start3A_204 = arith.constant 0 : i32
    %dma_start3A_205 = tpu.memref_slice %arg16[%arg0, %get3A_203, %dma_start3A_204] : memref<16x4096x64xf32, #tpu.memory_space<any>> -> memref<1x1x64xf32, #tpu.memory_space<any>>
    %dma_start3A_206 = tpu.memref_squeeze %dma_start3A_205 : memref<1x1x64xf32, #tpu.memory_space<any>> -> memref<1x64xf32, #tpu.memory_space<any>>
    %dma_start3A_207 = arith.constant 12 : i32
    %dma_start3A_208 = arith.constant 0 : i32
    %dma_start3A_209 = tpu.memref_slice %arg17[%dma_start3A_207, %dma_start3A_208] : memref<32x64xf32, #tpu.memory_space<vmem>> -> memref<1x64xf32, #tpu.memory_space<vmem>>
    tpu.enqueue_dma source(%dma_start3A_209 : memref<1x64xf32, #tpu.memory_space<vmem>>) target(%dma_start3A_206 : memref<1x64xf32, #tpu.memory_space<any>>) target_semaphore(%arg18 : memref<!tpu.dma_semaphore, #tpu.memory_space<semaphore_mem>>)
    %get3A_210 = arith.index_cast %arg0 : i32 to index
    %get3A_211 = arith.constant 13 : index
    %get3A_212 = memref.load %arg1[%get3A_210, %get3A_211] : memref<16x32xi32, #tpu.memory_space<smem>>
    %dma_start3A_213 = arith.constant 0 : i32
    %dma_start3A_214 = tpu.memref_slice %arg16[%arg0, %get3A_212, %dma_start3A_213] : memref<16x4096x64xf32, #tpu.memory_space<any>> -> memref<1x1x64xf32, #tpu.memory_space<any>>
    %dma_start3A_215 = tpu.memref_squeeze %dma_start3A_214 : memref<1x1x64xf32, #tpu.memory_space<any>> -> memref<1x64xf32, #tpu.memory_space<any>>
    %dma_start3A_216 = arith.constant 13 : i32
    %dma_start3A_217 = arith.constant 0 : i32
    %dma_start3A_218 = tpu.memref_slice %arg17[%dma_start3A_216, %dma_start3A_217] : memref<32x64xf32, #tpu.memory_space<vmem>> -> memref<1x64xf32, #tpu.memory_space<vmem>>
    tpu.enqueue_dma source(%dma_start3A_218 : memref<1x64xf32, #tpu.memory_space<vmem>>) target(%dma_start3A_215 : memref<1x64xf32, #tpu.memory_space<any>>) target_semaphore(%arg18 : memref<!tpu.dma_semaphore, #tpu.memory_space<semaphore_mem>>)
    %get3A_219 = arith.index_cast %arg0 : i32 to index
    %get3A_220 = arith.constant 14 : index
    %get3A_221 = memref.load %arg1[%get3A_219, %get3A_220] : memref<16x32xi32, #tpu.memory_space<smem>>
    %dma_start3A_222 = arith.constant 0 : i32
    %dma_start3A_223 = tpu.memref_slice %arg16[%arg0, %get3A_221, %dma_start3A_222] : memref<16x4096x64xf32, #tpu.memory_space<any>> -> memref<1x1x64xf32, #tpu.memory_space<any>>
    %dma_start3A_224 = tpu.memref_squeeze %dma_start3A_223 : memref<1x1x64xf32, #tpu.memory_space<any>> -> memref<1x64xf32, #tpu.memory_space<any>>
    %dma_start3A_225 = arith.constant 14 : i32
    %dma_start3A_226 = arith.constant 0 : i32
    %dma_start3A_227 = tpu.memref_slice %arg17[%dma_start3A_225, %dma_start3A_226] : memref<32x64xf32, #tpu.memory_space<vmem>> -> memref<1x64xf32, #tpu.memory_space<vmem>>
    tpu.enqueue_dma source(%dma_start3A_227 : memref<1x64xf32, #tpu.memory_space<vmem>>) target(%dma_start3A_224 : memref<1x64xf32, #tpu.memory_space<any>>) target_semaphore(%arg18 : memref<!tpu.dma_semaphore, #tpu.memory_space<semaphore_mem>>)
    %get3A_228 = arith.index_cast %arg0 : i32 to index
    %get3A_229 = arith.constant 15 : index
    %get3A_230 = memref.load %arg1[%get3A_228, %get3A_229] : memref<16x32xi32, #tpu.memory_space<smem>>
    %dma_start3A_231 = arith.constant 0 : i32
    %dma_start3A_232 = tpu.memref_slice %arg16[%arg0, %get3A_230, %dma_start3A_231] : memref<16x4096x64xf32, #tpu.memory_space<any>> -> memref<1x1x64xf32, #tpu.memory_space<any>>
    %dma_start3A_233 = tpu.memref_squeeze %dma_start3A_232 : memref<1x1x64xf32, #tpu.memory_space<any>> -> memref<1x64xf32, #tpu.memory_space<any>>
    %dma_start3A_234 = arith.constant 15 : i32
    %dma_start3A_235 = arith.constant 0 : i32
    %dma_start3A_236 = tpu.memref_slice %arg17[%dma_start3A_234, %dma_start3A_235] : memref<32x64xf32, #tpu.memory_space<vmem>> -> memref<1x64xf32, #tpu.memory_space<vmem>>
    tpu.enqueue_dma source(%dma_start3A_236 : memref<1x64xf32, #tpu.memory_space<vmem>>) target(%dma_start3A_233 : memref<1x64xf32, #tpu.memory_space<any>>) target_semaphore(%arg18 : memref<!tpu.dma_semaphore, #tpu.memory_space<semaphore_mem>>)
    %get3A_237 = arith.index_cast %arg0 : i32 to index
    %get3A_238 = arith.constant 16 : index
    %get3A_239 = memref.load %arg1[%get3A_237, %get3A_238] : memref<16x32xi32, #tpu.memory_space<smem>>
    %dma_start3A_240 = arith.constant 0 : i32
    %dma_start3A_241 = tpu.memref_slice %arg16[%arg0, %get3A_239, %dma_start3A_240] : memref<16x4096x64xf32, #tpu.memory_space<any>> -> memref<1x1x64xf32, #tpu.memory_space<any>>
    %dma_start3A_242 = tpu.memref_squeeze %dma_start3A_241 : memref<1x1x64xf32, #tpu.memory_space<any>> -> memref<1x64xf32, #tpu.memory_space<any>>
    %dma_start3A_243 = arith.constant 16 : i32
    %dma_start3A_244 = arith.constant 0 : i32
    %dma_start3A_245 = tpu.memref_slice %arg17[%dma_start3A_243, %dma_start3A_244] : memref<32x64xf32, #tpu.memory_space<vmem>> -> memref<1x64xf32, #tpu.memory_space<vmem>>
    tpu.enqueue_dma source(%dma_start3A_245 : memref<1x64xf32, #tpu.memory_space<vmem>>) target(%dma_start3A_242 : memref<1x64xf32, #tpu.memory_space<any>>) target_semaphore(%arg18 : memref<!tpu.dma_semaphore, #tpu.memory_space<semaphore_mem>>)
    %get3A_246 = arith.index_cast %arg0 : i32 to index
    %get3A_247 = arith.constant 17 : index
    %get3A_248 = memref.load %arg1[%get3A_246, %get3A_247] : memref<16x32xi32, #tpu.memory_space<smem>>
    %dma_start3A_249 = arith.constant 0 : i32
    %dma_start3A_250 = tpu.memref_slice %arg16[%arg0, %get3A_248, %dma_start3A_249] : memref<16x4096x64xf32, #tpu.memory_space<any>> -> memref<1x1x64xf32, #tpu.memory_space<any>>
    %dma_start3A_251 = tpu.memref_squeeze %dma_start3A_250 : memref<1x1x64xf32, #tpu.memory_space<any>> -> memref<1x64xf32, #tpu.memory_space<any>>
    %dma_start3A_252 = arith.constant 17 : i32
    %dma_start3A_253 = arith.constant 0 : i32
    %dma_start3A_254 = tpu.memref_slice %arg17[%dma_start3A_252, %dma_start3A_253] : memref<32x64xf32, #tpu.memory_space<vmem>> -> memref<1x64xf32, #tpu.memory_space<vmem>>
    tpu.enqueue_dma source(%dma_start3A_254 : memref<1x64xf32, #tpu.memory_space<vmem>>) target(%dma_start3A_251 : memref<1x64xf32, #tpu.memory_space<any>>) target_semaphore(%arg18 : memref<!tpu.dma_semaphore, #tpu.memory_space<semaphore_mem>>)
    %get3A_255 = arith.index_cast %arg0 : i32 to index
    %get3A_256 = arith.constant 18 : index
    %get3A_257 = memref.load %arg1[%get3A_255, %get3A_256] : memref<16x32xi32, #tpu.memory_space<smem>>
    %dma_start3A_258 = arith.constant 0 : i32
    %dma_start3A_259 = tpu.memref_slice %arg16[%arg0, %get3A_257, %dma_start3A_258] : memref<16x4096x64xf32, #tpu.memory_space<any>> -> memref<1x1x64xf32, #tpu.memory_space<any>>
    %dma_start3A_260 = tpu.memref_squeeze %dma_start3A_259 : memref<1x1x64xf32, #tpu.memory_space<any>> -> memref<1x64xf32, #tpu.memory_space<any>>
    %dma_start3A_261 = arith.constant 18 : i32
    %dma_start3A_262 = arith.constant 0 : i32
    %dma_start3A_263 = tpu.memref_slice %arg17[%dma_start3A_261, %dma_start3A_262] : memref<32x64xf32, #tpu.memory_space<vmem>> -> memref<1x64xf32, #tpu.memory_space<vmem>>
    tpu.enqueue_dma source(%dma_start3A_263 : memref<1x64xf32, #tpu.memory_space<vmem>>) target(%dma_start3A_260 : memref<1x64xf32, #tpu.memory_space<any>>) target_semaphore(%arg18 : memref<!tpu.dma_semaphore, #tpu.memory_space<semaphore_mem>>)
    %get3A_264 = arith.index_cast %arg0 : i32 to index
    %get3A_265 = arith.constant 19 : index
    %get3A_266 = memref.load %arg1[%get3A_264, %get3A_265] : memref<16x32xi32, #tpu.memory_space<smem>>
    %dma_start3A_267 = arith.constant 0 : i32
    %dma_start3A_268 = tpu.memref_slice %arg16[%arg0, %get3A_266, %dma_start3A_267] : memref<16x4096x64xf32, #tpu.memory_space<any>> -> memref<1x1x64xf32, #tpu.memory_space<any>>
    %dma_start3A_269 = tpu.memref_squeeze %dma_start3A_268 : memref<1x1x64xf32, #tpu.memory_space<any>> -> memref<1x64xf32, #tpu.memory_space<any>>
    %dma_start3A_270 = arith.constant 19 : i32
    %dma_start3A_271 = arith.constant 0 : i32
    %dma_start3A_272 = tpu.memref_slice %arg17[%dma_start3A_270, %dma_start3A_271] : memref<32x64xf32, #tpu.memory_space<vmem>> -> memref<1x64xf32, #tpu.memory_space<vmem>>
    tpu.enqueue_dma source(%dma_start3A_272 : memref<1x64xf32, #tpu.memory_space<vmem>>) target(%dma_start3A_269 : memref<1x64xf32, #tpu.memory_space<any>>) target_semaphore(%arg18 : memref<!tpu.dma_semaphore, #tpu.memory_space<semaphore_mem>>)
    %get3A_273 = arith.index_cast %arg0 : i32 to index
    %get3A_274 = arith.constant 20 : index
    %get3A_275 = memref.load %arg1[%get3A_273, %get3A_274] : memref<16x32xi32, #tpu.memory_space<smem>>
    %dma_start3A_276 = arith.constant 0 : i32
    %dma_start3A_277 = tpu.memref_slice %arg16[%arg0, %get3A_275, %dma_start3A_276] : memref<16x4096x64xf32, #tpu.memory_space<any>> -> memref<1x1x64xf32, #tpu.memory_space<any>>
    %dma_start3A_278 = tpu.memref_squeeze %dma_start3A_277 : memref<1x1x64xf32, #tpu.memory_space<any>> -> memref<1x64xf32, #tpu.memory_space<any>>
    %dma_start3A_279 = arith.constant 20 : i32
    %dma_start3A_280 = arith.constant 0 : i32
    %dma_start3A_281 = tpu.memref_slice %arg17[%dma_start3A_279, %dma_start3A_280] : memref<32x64xf32, #tpu.memory_space<vmem>> -> memref<1x64xf32, #tpu.memory_space<vmem>>
    tpu.enqueue_dma source(%dma_start3A_281 : memref<1x64xf32, #tpu.memory_space<vmem>>) target(%dma_start3A_278 : memref<1x64xf32, #tpu.memory_space<any>>) target_semaphore(%arg18 : memref<!tpu.dma_semaphore, #tpu.memory_space<semaphore_mem>>)
    %get3A_282 = arith.index_cast %arg0 : i32 to index
    %get3A_283 = arith.constant 21 : index
    %get3A_284 = memref.load %arg1[%get3A_282, %get3A_283] : memref<16x32xi32, #tpu.memory_space<smem>>
    %dma_start3A_285 = arith.constant 0 : i32
    %dma_start3A_286 = tpu.memref_slice %arg16[%arg0, %get3A_284, %dma_start3A_285] : memref<16x4096x64xf32, #tpu.memory_space<any>> -> memref<1x1x64xf32, #tpu.memory_space<any>>
    %dma_start3A_287 = tpu.memref_squeeze %dma_start3A_286 : memref<1x1x64xf32, #tpu.memory_space<any>> -> memref<1x64xf32, #tpu.memory_space<any>>
    %dma_start3A_288 = arith.constant 21 : i32
    %dma_start3A_289 = arith.constant 0 : i32
    %dma_start3A_290 = tpu.memref_slice %arg17[%dma_start3A_288, %dma_start3A_289] : memref<32x64xf32, #tpu.memory_space<vmem>> -> memref<1x64xf32, #tpu.memory_space<vmem>>
    tpu.enqueue_dma source(%dma_start3A_290 : memref<1x64xf32, #tpu.memory_space<vmem>>) target(%dma_start3A_287 : memref<1x64xf32, #tpu.memory_space<any>>) target_semaphore(%arg18 : memref<!tpu.dma_semaphore, #tpu.memory_space<semaphore_mem>>)
    %get3A_291 = arith.index_cast %arg0 : i32 to index
    %get3A_292 = arith.constant 22 : index
    %get3A_293 = memref.load %arg1[%get3A_291, %get3A_292] : memref<16x32xi32, #tpu.memory_space<smem>>
    %dma_start3A_294 = arith.constant 0 : i32
    %dma_start3A_295 = tpu.memref_slice %arg16[%arg0, %get3A_293, %dma_start3A_294] : memref<16x4096x64xf32, #tpu.memory_space<any>> -> memref<1x1x64xf32, #tpu.memory_space<any>>
    %dma_start3A_296 = tpu.memref_squeeze %dma_start3A_295 : memref<1x1x64xf32, #tpu.memory_space<any>> -> memref<1x64xf32, #tpu.memory_space<any>>
    %dma_start3A_297 = arith.constant 22 : i32
    %dma_start3A_298 = arith.constant 0 : i32
    %dma_start3A_299 = tpu.memref_slice %arg17[%dma_start3A_297, %dma_start3A_298] : memref<32x64xf32, #tpu.memory_space<vmem>> -> memref<1x64xf32, #tpu.memory_space<vmem>>
    tpu.enqueue_dma source(%dma_start3A_299 : memref<1x64xf32, #tpu.memory_space<vmem>>) target(%dma_start3A_296 : memref<1x64xf32, #tpu.memory_space<any>>) target_semaphore(%arg18 : memref<!tpu.dma_semaphore, #tpu.memory_space<semaphore_mem>>)
    %get3A_300 = arith.index_cast %arg0 : i32 to index
    %get3A_301 = arith.constant 23 : index
    %get3A_302 = memref.load %arg1[%get3A_300, %get3A_301] : memref<16x32xi32, #tpu.memory_space<smem>>
    %dma_start3A_303 = arith.constant 0 : i32
    %dma_start3A_304 = tpu.memref_slice %arg16[%arg0, %get3A_302, %dma_start3A_303] : memref<16x4096x64xf32, #tpu.memory_space<any>> -> memref<1x1x64xf32, #tpu.memory_space<any>>
    %dma_start3A_305 = tpu.memref_squeeze %dma_start3A_304 : memref<1x1x64xf32, #tpu.memory_space<any>> -> memref<1x64xf32, #tpu.memory_space<any>>
    %dma_start3A_306 = arith.constant 23 : i32
    %dma_start3A_307 = arith.constant 0 : i32
    %dma_start3A_308 = tpu.memref_slice %arg17[%dma_start3A_306, %dma_start3A_307] : memref<32x64xf32, #tpu.memory_space<vmem>> -> memref<1x64xf32, #tpu.memory_space<vmem>>
    tpu.enqueue_dma source(%dma_start3A_308 : memref<1x64xf32, #tpu.memory_space<vmem>>) target(%dma_start3A_305 : memref<1x64xf32, #tpu.memory_space<any>>) target_semaphore(%arg18 : memref<!tpu.dma_semaphore, #tpu.memory_space<semaphore_mem>>)
    %get3A_309 = arith.index_cast %arg0 : i32 to index
    %get3A_310 = arith.constant 24 : index
    %get3A_311 = memref.load %arg1[%get3A_309, %get3A_310] : memref<16x32xi32, #tpu.memory_space<smem>>
    %dma_start3A_312 = arith.constant 0 : i32
    %dma_start3A_313 = tpu.memref_slice %arg16[%arg0, %get3A_311, %dma_start3A_312] : memref<16x4096x64xf32, #tpu.memory_space<any>> -> memref<1x1x64xf32, #tpu.memory_space<any>>
    %dma_start3A_314 = tpu.memref_squeeze %dma_start3A_313 : memref<1x1x64xf32, #tpu.memory_space<any>> -> memref<1x64xf32, #tpu.memory_space<any>>
    %dma_start3A_315 = arith.constant 24 : i32
    %dma_start3A_316 = arith.constant 0 : i32
    %dma_start3A_317 = tpu.memref_slice %arg17[%dma_start3A_315, %dma_start3A_316] : memref<32x64xf32, #tpu.memory_space<vmem>> -> memref<1x64xf32, #tpu.memory_space<vmem>>
    tpu.enqueue_dma source(%dma_start3A_317 : memref<1x64xf32, #tpu.memory_space<vmem>>) target(%dma_start3A_314 : memref<1x64xf32, #tpu.memory_space<any>>) target_semaphore(%arg18 : memref<!tpu.dma_semaphore, #tpu.memory_space<semaphore_mem>>)
    %get3A_318 = arith.index_cast %arg0 : i32 to index
    %get3A_319 = arith.constant 25 : index
    %get3A_320 = memref.load %arg1[%get3A_318, %get3A_319] : memref<16x32xi32, #tpu.memory_space<smem>>
    %dma_start3A_321 = arith.constant 0 : i32
    %dma_start3A_322 = tpu.memref_slice %arg16[%arg0, %get3A_320, %dma_start3A_321] : memref<16x4096x64xf32, #tpu.memory_space<any>> -> memref<1x1x64xf32, #tpu.memory_space<any>>
    %dma_start3A_323 = tpu.memref_squeeze %dma_start3A_322 : memref<1x1x64xf32, #tpu.memory_space<any>> -> memref<1x64xf32, #tpu.memory_space<any>>
    %dma_start3A_324 = arith.constant 25 : i32
    %dma_start3A_325 = arith.constant 0 : i32
    %dma_start3A_326 = tpu.memref_slice %arg17[%dma_start3A_324, %dma_start3A_325] : memref<32x64xf32, #tpu.memory_space<vmem>> -> memref<1x64xf32, #tpu.memory_space<vmem>>
    tpu.enqueue_dma source(%dma_start3A_326 : memref<1x64xf32, #tpu.memory_space<vmem>>) target(%dma_start3A_323 : memref<1x64xf32, #tpu.memory_space<any>>) target_semaphore(%arg18 : memref<!tpu.dma_semaphore, #tpu.memory_space<semaphore_mem>>)
    %get3A_327 = arith.index_cast %arg0 : i32 to index
    %get3A_328 = arith.constant 26 : index
    %get3A_329 = memref.load %arg1[%get3A_327, %get3A_328] : memref<16x32xi32, #tpu.memory_space<smem>>
    %dma_start3A_330 = arith.constant 0 : i32
    %dma_start3A_331 = tpu.memref_slice %arg16[%arg0, %get3A_329, %dma_start3A_330] : memref<16x4096x64xf32, #tpu.memory_space<any>> -> memref<1x1x64xf32, #tpu.memory_space<any>>
    %dma_start3A_332 = tpu.memref_squeeze %dma_start3A_331 : memref<1x1x64xf32, #tpu.memory_space<any>> -> memref<1x64xf32, #tpu.memory_space<any>>
    %dma_start3A_333 = arith.constant 26 : i32
    %dma_start3A_334 = arith.constant 0 : i32
    %dma_start3A_335 = tpu.memref_slice %arg17[%dma_start3A_333, %dma_start3A_334] : memref<32x64xf32, #tpu.memory_space<vmem>> -> memref<1x64xf32, #tpu.memory_space<vmem>>
    tpu.enqueue_dma source(%dma_start3A_335 : memref<1x64xf32, #tpu.memory_space<vmem>>) target(%dma_start3A_332 : memref<1x64xf32, #tpu.memory_space<any>>) target_semaphore(%arg18 : memref<!tpu.dma_semaphore, #tpu.memory_space<semaphore_mem>>)
    %get3A_336 = arith.index_cast %arg0 : i32 to index
    %get3A_337 = arith.constant 27 : index
    %get3A_338 = memref.load %arg1[%get3A_336, %get3A_337] : memref<16x32xi32, #tpu.memory_space<smem>>
    %dma_start3A_339 = arith.constant 0 : i32
    %dma_start3A_340 = tpu.memref_slice %arg16[%arg0, %get3A_338, %dma_start3A_339] : memref<16x4096x64xf32, #tpu.memory_space<any>> -> memref<1x1x64xf32, #tpu.memory_space<any>>
    %dma_start3A_341 = tpu.memref_squeeze %dma_start3A_340 : memref<1x1x64xf32, #tpu.memory_space<any>> -> memref<1x64xf32, #tpu.memory_space<any>>
    %dma_start3A_342 = arith.constant 27 : i32
    %dma_start3A_343 = arith.constant 0 : i32
    %dma_start3A_344 = tpu.memref_slice %arg17[%dma_start3A_342, %dma_start3A_343] : memref<32x64xf32, #tpu.memory_space<vmem>> -> memref<1x64xf32, #tpu.memory_space<vmem>>
    tpu.enqueue_dma source(%dma_start3A_344 : memref<1x64xf32, #tpu.memory_space<vmem>>) target(%dma_start3A_341 : memref<1x64xf32, #tpu.memory_space<any>>) target_semaphore(%arg18 : memref<!tpu.dma_semaphore, #tpu.memory_space<semaphore_mem>>)
    %get3A_345 = arith.index_cast %arg0 : i32 to index
    %get3A_346 = arith.constant 28 : index
    %get3A_347 = memref.load %arg1[%get3A_345, %get3A_346] : memref<16x32xi32, #tpu.memory_space<smem>>
    %dma_start3A_348 = arith.constant 0 : i32
    %dma_start3A_349 = tpu.memref_slice %arg16[%arg0, %get3A_347, %dma_start3A_348] : memref<16x4096x64xf32, #tpu.memory_space<any>> -> memref<1x1x64xf32, #tpu.memory_space<any>>
    %dma_start3A_350 = tpu.memref_squeeze %dma_start3A_349 : memref<1x1x64xf32, #tpu.memory_space<any>> -> memref<1x64xf32, #tpu.memory_space<any>>
    %dma_start3A_351 = arith.constant 28 : i32
    %dma_start3A_352 = arith.constant 0 : i32
    %dma_start3A_353 = tpu.memref_slice %arg17[%dma_start3A_351, %dma_start3A_352] : memref<32x64xf32, #tpu.memory_space<vmem>> -> memref<1x64xf32, #tpu.memory_space<vmem>>
    tpu.enqueue_dma source(%dma_start3A_353 : memref<1x64xf32, #tpu.memory_space<vmem>>) target(%dma_start3A_350 : memref<1x64xf32, #tpu.memory_space<any>>) target_semaphore(%arg18 : memref<!tpu.dma_semaphore, #tpu.memory_space<semaphore_mem>>)
    %get3A_354 = arith.index_cast %arg0 : i32 to index
    %get3A_355 = arith.constant 29 : index
    %get3A_356 = memref.load %arg1[%get3A_354, %get3A_355] : memref<16x32xi32, #tpu.memory_space<smem>>
    %dma_start3A_357 = arith.constant 0 : i32
    %dma_start3A_358 = tpu.memref_slice %arg16[%arg0, %get3A_356, %dma_start3A_357] : memref<16x4096x64xf32, #tpu.memory_space<any>> -> memref<1x1x64xf32, #tpu.memory_space<any>>
    %dma_start3A_359 = tpu.memref_squeeze %dma_start3A_358 : memref<1x1x64xf32, #tpu.memory_space<any>> -> memref<1x64xf32, #tpu.memory_space<any>>
    %dma_start3A_360 = arith.constant 29 : i32
    %dma_start3A_361 = arith.constant 0 : i32
    %dma_start3A_362 = tpu.memref_slice %arg17[%dma_start3A_360, %dma_start3A_361] : memref<32x64xf32, #tpu.memory_space<vmem>> -> memref<1x64xf32, #tpu.memory_space<vmem>>
    tpu.enqueue_dma source(%dma_start3A_362 : memref<1x64xf32, #tpu.memory_space<vmem>>) target(%dma_start3A_359 : memref<1x64xf32, #tpu.memory_space<any>>) target_semaphore(%arg18 : memref<!tpu.dma_semaphore, #tpu.memory_space<semaphore_mem>>)
    %get3A_363 = arith.index_cast %arg0 : i32 to index
    %get3A_364 = arith.constant 30 : index
    %get3A_365 = memref.load %arg1[%get3A_363, %get3A_364] : memref<16x32xi32, #tpu.memory_space<smem>>
    %dma_start3A_366 = arith.constant 0 : i32
    %dma_start3A_367 = tpu.memref_slice %arg16[%arg0, %get3A_365, %dma_start3A_366] : memref<16x4096x64xf32, #tpu.memory_space<any>> -> memref<1x1x64xf32, #tpu.memory_space<any>>
    %dma_start3A_368 = tpu.memref_squeeze %dma_start3A_367 : memref<1x1x64xf32, #tpu.memory_space<any>> -> memref<1x64xf32, #tpu.memory_space<any>>
    %dma_start3A_369 = arith.constant 30 : i32
    %dma_start3A_370 = arith.constant 0 : i32
    %dma_start3A_371 = tpu.memref_slice %arg17[%dma_start3A_369, %dma_start3A_370] : memref<32x64xf32, #tpu.memory_space<vmem>> -> memref<1x64xf32, #tpu.memory_space<vmem>>
    tpu.enqueue_dma source(%dma_start3A_371 : memref<1x64xf32, #tpu.memory_space<vmem>>) target(%dma_start3A_368 : memref<1x64xf32, #tpu.memory_space<any>>) target_semaphore(%arg18 : memref<!tpu.dma_semaphore, #tpu.memory_space<semaphore_mem>>)
    %get3A_372 = arith.index_cast %arg0 : i32 to index
    %get3A_373 = arith.constant 31 : index
    %get3A_374 = memref.load %arg1[%get3A_372, %get3A_373] : memref<16x32xi32, #tpu.memory_space<smem>>
    %dma_start3A_375 = arith.constant 0 : i32
    %dma_start3A_376 = tpu.memref_slice %arg16[%arg0, %get3A_374, %dma_start3A_375] : memref<16x4096x64xf32, #tpu.memory_space<any>> -> memref<1x1x64xf32, #tpu.memory_space<any>>
    %dma_start3A_377 = tpu.memref_squeeze %dma_start3A_376 : memref<1x1x64xf32, #tpu.memory_space<any>> -> memref<1x64xf32, #tpu.memory_space<any>>
    %dma_start3A_378 = arith.constant 31 : i32
    %dma_start3A_379 = arith.constant 0 : i32
    %dma_start3A_380 = tpu.memref_slice %arg17[%dma_start3A_378, %dma_start3A_379] : memref<32x64xf32, #tpu.memory_space<vmem>> -> memref<1x64xf32, #tpu.memory_space<vmem>>
    tpu.enqueue_dma source(%dma_start3A_380 : memref<1x64xf32, #tpu.memory_space<vmem>>) target(%dma_start3A_377 : memref<1x64xf32, #tpu.memory_space<any>>) target_semaphore(%arg18 : memref<!tpu.dma_semaphore, #tpu.memory_space<semaphore_mem>>)
    %dma_wait3A = arith.constant 0 : i32
    %dma_wait3A_381 = tpu.memref_slice %arg16[%arg0, %get3A_96, %dma_wait3A] : memref<16x4096x64xf32, #tpu.memory_space<any>> -> memref<1x1x64xf32, #tpu.memory_space<any>>
    %dma_wait3A_382 = tpu.memref_squeeze %dma_wait3A_381 : memref<1x1x64xf32, #tpu.memory_space<any>> -> memref<1x64xf32, #tpu.memory_space<any>>
    %dma_wait3A_383 = arith.constant 0 : i32
    %dma_wait3A_384 = arith.constant 0 : i32
    %dma_wait3A_385 = tpu.memref_slice %arg17[%dma_wait3A_383, %dma_wait3A_384] : memref<32x64xf32, #tpu.memory_space<vmem>> -> memref<1x64xf32, #tpu.memory_space<vmem>>
    tpu.wait_dma2 semaphore(%arg18 : memref<!tpu.dma_semaphore, #tpu.memory_space<semaphore_mem>>) src(%dma_wait3A_385 : memref<1x64xf32, #tpu.memory_space<vmem>>) dst(%dma_wait3A_382 : memref<1x64xf32, #tpu.memory_space<any>>)
    %dma_wait3A_386 = arith.constant 0 : i32
    %dma_wait3A_387 = tpu.memref_slice %arg16[%arg0, %get3A_104, %dma_wait3A_386] : memref<16x4096x64xf32, #tpu.memory_space<any>> -> memref<1x1x64xf32, #tpu.memory_space<any>>
    %dma_wait3A_388 = tpu.memref_squeeze %dma_wait3A_387 : memref<1x1x64xf32, #tpu.memory_space<any>> -> memref<1x64xf32, #tpu.memory_space<any>>
    %dma_wait3A_389 = arith.constant 1 : i32
    %dma_wait3A_390 = arith.constant 0 : i32
    %dma_wait3A_391 = tpu.memref_slice %arg17[%dma_wait3A_389, %dma_wait3A_390] : memref<32x64xf32, #tpu.memory_space<vmem>> -> memref<1x64xf32, #tpu.memory_space<vmem>>
    tpu.wait_dma2 semaphore(%arg18 : memref<!tpu.dma_semaphore, #tpu.memory_space<semaphore_mem>>) src(%dma_wait3A_391 : memref<1x64xf32, #tpu.memory_space<vmem>>) dst(%dma_wait3A_388 : memref<1x64xf32, #tpu.memory_space<any>>)
    %dma_wait3A_392 = arith.constant 0 : i32
    %dma_wait3A_393 = tpu.memref_slice %arg16[%arg0, %get3A_113, %dma_wait3A_392] : memref<16x4096x64xf32, #tpu.memory_space<any>> -> memref<1x1x64xf32, #tpu.memory_space<any>>
    %dma_wait3A_394 = tpu.memref_squeeze %dma_wait3A_393 : memref<1x1x64xf32, #tpu.memory_space<any>> -> memref<1x64xf32, #tpu.memory_space<any>>
    %dma_wait3A_395 = arith.constant 2 : i32
    %dma_wait3A_396 = arith.constant 0 : i32
    %dma_wait3A_397 = tpu.memref_slice %arg17[%dma_wait3A_395, %dma_wait3A_396] : memref<32x64xf32, #tpu.memory_space<vmem>> -> memref<1x64xf32, #tpu.memory_space<vmem>>
    tpu.wait_dma2 semaphore(%arg18 : memref<!tpu.dma_semaphore, #tpu.memory_space<semaphore_mem>>) src(%dma_wait3A_397 : memref<1x64xf32, #tpu.memory_space<vmem>>) dst(%dma_wait3A_394 : memref<1x64xf32, #tpu.memory_space<any>>)
    %dma_wait3A_398 = arith.constant 0 : i32
    %dma_wait3A_399 = tpu.memref_slice %arg16[%arg0, %get3A_122, %dma_wait3A_398] : memref<16x4096x64xf32, #tpu.memory_space<any>> -> memref<1x1x64xf32, #tpu.memory_space<any>>
    %dma_wait3A_400 = tpu.memref_squeeze %dma_wait3A_399 : memref<1x1x64xf32, #tpu.memory_space<any>> -> memref<1x64xf32, #tpu.memory_space<any>>
    %dma_wait3A_401 = arith.constant 3 : i32
    %dma_wait3A_402 = arith.constant 0 : i32
    %dma_wait3A_403 = tpu.memref_slice %arg17[%dma_wait3A_401, %dma_wait3A_402] : memref<32x64xf32, #tpu.memory_space<vmem>> -> memref<1x64xf32, #tpu.memory_space<vmem>>
    tpu.wait_dma2 semaphore(%arg18 : memref<!tpu.dma_semaphore, #tpu.memory_space<semaphore_mem>>) src(%dma_wait3A_403 : memref<1x64xf32, #tpu.memory_space<vmem>>) dst(%dma_wait3A_400 : memref<1x64xf32, #tpu.memory_space<any>>)
    %dma_wait3A_404 = arith.constant 0 : i32
    %dma_wait3A_405 = tpu.memref_slice %arg16[%arg0, %get3A_131, %dma_wait3A_404] : memref<16x4096x64xf32, #tpu.memory_space<any>> -> memref<1x1x64xf32, #tpu.memory_space<any>>
    %dma_wait3A_406 = tpu.memref_squeeze %dma_wait3A_405 : memref<1x1x64xf32, #tpu.memory_space<any>> -> memref<1x64xf32, #tpu.memory_space<any>>
    %dma_wait3A_407 = arith.constant 4 : i32
    %dma_wait3A_408 = arith.constant 0 : i32
    %dma_wait3A_409 = tpu.memref_slice %arg17[%dma_wait3A_407, %dma_wait3A_408] : memref<32x64xf32, #tpu.memory_space<vmem>> -> memref<1x64xf32, #tpu.memory_space<vmem>>
    tpu.wait_dma2 semaphore(%arg18 : memref<!tpu.dma_semaphore, #tpu.memory_space<semaphore_mem>>) src(%dma_wait3A_409 : memref<1x64xf32, #tpu.memory_space<vmem>>) dst(%dma_wait3A_406 : memref<1x64xf32, #tpu.memory_space<any>>)
    %dma_wait3A_410 = arith.constant 0 : i32
    %dma_wait3A_411 = tpu.memref_slice %arg16[%arg0, %get3A_140, %dma_wait3A_410] : memref<16x4096x64xf32, #tpu.memory_space<any>> -> memref<1x1x64xf32, #tpu.memory_space<any>>
    %dma_wait3A_412 = tpu.memref_squeeze %dma_wait3A_411 : memref<1x1x64xf32, #tpu.memory_space<any>> -> memref<1x64xf32, #tpu.memory_space<any>>
    %dma_wait3A_413 = arith.constant 5 : i32
    %dma_wait3A_414 = arith.constant 0 : i32
    %dma_wait3A_415 = tpu.memref_slice %arg17[%dma_wait3A_413, %dma_wait3A_414] : memref<32x64xf32, #tpu.memory_space<vmem>> -> memref<1x64xf32, #tpu.memory_space<vmem>>
    tpu.wait_dma2 semaphore(%arg18 : memref<!tpu.dma_semaphore, #tpu.memory_space<semaphore_mem>>) src(%dma_wait3A_415 : memref<1x64xf32, #tpu.memory_space<vmem>>) dst(%dma_wait3A_412 : memref<1x64xf32, #tpu.memory_space<any>>)
    %dma_wait3A_416 = arith.constant 0 : i32
    %dma_wait3A_417 = tpu.memref_slice %arg16[%arg0, %get3A_149, %dma_wait3A_416] : memref<16x4096x64xf32, #tpu.memory_space<any>> -> memref<1x1x64xf32, #tpu.memory_space<any>>
    %dma_wait3A_418 = tpu.memref_squeeze %dma_wait3A_417 : memref<1x1x64xf32, #tpu.memory_space<any>> -> memref<1x64xf32, #tpu.memory_space<any>>
    %dma_wait3A_419 = arith.constant 6 : i32
    %dma_wait3A_420 = arith.constant 0 : i32
    %dma_wait3A_421 = tpu.memref_slice %arg17[%dma_wait3A_419, %dma_wait3A_420] : memref<32x64xf32, #tpu.memory_space<vmem>> -> memref<1x64xf32, #tpu.memory_space<vmem>>
    tpu.wait_dma2 semaphore(%arg18 : memref<!tpu.dma_semaphore, #tpu.memory_space<semaphore_mem>>) src(%dma_wait3A_421 : memref<1x64xf32, #tpu.memory_space<vmem>>) dst(%dma_wait3A_418 : memref<1x64xf32, #tpu.memory_space<any>>)
    %dma_wait3A_422 = arith.constant 0 : i32
    %dma_wait3A_423 = tpu.memref_slice %arg16[%arg0, %get3A_158, %dma_wait3A_422] : memref<16x4096x64xf32, #tpu.memory_space<any>> -> memref<1x1x64xf32, #tpu.memory_space<any>>
    %dma_wait3A_424 = tpu.memref_squeeze %dma_wait3A_423 : memref<1x1x64xf32, #tpu.memory_space<any>> -> memref<1x64xf32, #tpu.memory_space<any>>
    %dma_wait3A_425 = arith.constant 7 : i32
    %dma_wait3A_426 = arith.constant 0 : i32
    %dma_wait3A_427 = tpu.memref_slice %arg17[%dma_wait3A_425, %dma_wait3A_426] : memref<32x64xf32, #tpu.memory_space<vmem>> -> memref<1x64xf32, #tpu.memory_space<vmem>>
    tpu.wait_dma2 semaphore(%arg18 : memref<!tpu.dma_semaphore, #tpu.memory_space<semaphore_mem>>) src(%dma_wait3A_427 : memref<1x64xf32, #tpu.memory_space<vmem>>) dst(%dma_wait3A_424 : memref<1x64xf32, #tpu.memory_space<any>>)
    %dma_wait3A_428 = arith.constant 0 : i32
    %dma_wait3A_429 = tpu.memref_slice %arg16[%arg0, %get3A_167, %dma_wait3A_428] : memref<16x4096x64xf32, #tpu.memory_space<any>> -> memref<1x1x64xf32, #tpu.memory_space<any>>
    %dma_wait3A_430 = tpu.memref_squeeze %dma_wait3A_429 : memref<1x1x64xf32, #tpu.memory_space<any>> -> memref<1x64xf32, #tpu.memory_space<any>>
    %dma_wait3A_431 = arith.constant 8 : i32
    %dma_wait3A_432 = arith.constant 0 : i32
    %dma_wait3A_433 = tpu.memref_slice %arg17[%dma_wait3A_431, %dma_wait3A_432] : memref<32x64xf32, #tpu.memory_space<vmem>> -> memref<1x64xf32, #tpu.memory_space<vmem>>
    tpu.wait_dma2 semaphore(%arg18 : memref<!tpu.dma_semaphore, #tpu.memory_space<semaphore_mem>>) src(%dma_wait3A_433 : memref<1x64xf32, #tpu.memory_space<vmem>>) dst(%dma_wait3A_430 : memref<1x64xf32, #tpu.memory_space<any>>)
    %dma_wait3A_434 = arith.constant 0 : i32
    %dma_wait3A_435 = tpu.memref_slice %arg16[%arg0, %get3A_176, %dma_wait3A_434] : memref<16x4096x64xf32, #tpu.memory_space<any>> -> memref<1x1x64xf32, #tpu.memory_space<any>>
    %dma_wait3A_436 = tpu.memref_squeeze %dma_wait3A_435 : memref<1x1x64xf32, #tpu.memory_space<any>> -> memref<1x64xf32, #tpu.memory_space<any>>
    %dma_wait3A_437 = arith.constant 9 : i32
    %dma_wait3A_438 = arith.constant 0 : i32
    %dma_wait3A_439 = tpu.memref_slice %arg17[%dma_wait3A_437, %dma_wait3A_438] : memref<32x64xf32, #tpu.memory_space<vmem>> -> memref<1x64xf32, #tpu.memory_space<vmem>>
    tpu.wait_dma2 semaphore(%arg18 : memref<!tpu.dma_semaphore, #tpu.memory_space<semaphore_mem>>) src(%dma_wait3A_439 : memref<1x64xf32, #tpu.memory_space<vmem>>) dst(%dma_wait3A_436 : memref<1x64xf32, #tpu.memory_space<any>>)
    %dma_wait3A_440 = arith.constant 0 : i32
    %dma_wait3A_441 = tpu.memref_slice %arg16[%arg0, %get3A_185, %dma_wait3A_440] : memref<16x4096x64xf32, #tpu.memory_space<any>> -> memref<1x1x64xf32, #tpu.memory_space<any>>
    %dma_wait3A_442 = tpu.memref_squeeze %dma_wait3A_441 : memref<1x1x64xf32, #tpu.memory_space<any>> -> memref<1x64xf32, #tpu.memory_space<any>>
    %dma_wait3A_443 = arith.constant 10 : i32
    %dma_wait3A_444 = arith.constant 0 : i32
    %dma_wait3A_445 = tpu.memref_slice %arg17[%dma_wait3A_443, %dma_wait3A_444] : memref<32x64xf32, #tpu.memory_space<vmem>> -> memref<1x64xf32, #tpu.memory_space<vmem>>
    tpu.wait_dma2 semaphore(%arg18 : memref<!tpu.dma_semaphore, #tpu.memory_space<semaphore_mem>>) src(%dma_wait3A_445 : memref<1x64xf32, #tpu.memory_space<vmem>>) dst(%dma_wait3A_442 : memref<1x64xf32, #tpu.memory_space<any>>)
    %dma_wait3A_446 = arith.constant 0 : i32
    %dma_wait3A_447 = tpu.memref_slice %arg16[%arg0, %get3A_194, %dma_wait3A_446] : memref<16x4096x64xf32, #tpu.memory_space<any>> -> memref<1x1x64xf32, #tpu.memory_space<any>>
    %dma_wait3A_448 = tpu.memref_squeeze %dma_wait3A_447 : memref<1x1x64xf32, #tpu.memory_space<any>> -> memref<1x64xf32, #tpu.memory_space<any>>
    %dma_wait3A_449 = arith.constant 11 : i32
    %dma_wait3A_450 = arith.constant 0 : i32
    %dma_wait3A_451 = tpu.memref_slice %arg17[%dma_wait3A_449, %dma_wait3A_450] : memref<32x64xf32, #tpu.memory_space<vmem>> -> memref<1x64xf32, #tpu.memory_space<vmem>>
    tpu.wait_dma2 semaphore(%arg18 : memref<!tpu.dma_semaphore, #tpu.memory_space<semaphore_mem>>) src(%dma_wait3A_451 : memref<1x64xf32, #tpu.memory_space<vmem>>) dst(%dma_wait3A_448 : memref<1x64xf32, #tpu.memory_space<any>>)
    %dma_wait3A_452 = arith.constant 0 : i32
    %dma_wait3A_453 = tpu.memref_slice %arg16[%arg0, %get3A_203, %dma_wait3A_452] : memref<16x4096x64xf32, #tpu.memory_space<any>> -> memref<1x1x64xf32, #tpu.memory_space<any>>
    %dma_wait3A_454 = tpu.memref_squeeze %dma_wait3A_453 : memref<1x1x64xf32, #tpu.memory_space<any>> -> memref<1x64xf32, #tpu.memory_space<any>>
    %dma_wait3A_455 = arith.constant 12 : i32
    %dma_wait3A_456 = arith.constant 0 : i32
    %dma_wait3A_457 = tpu.memref_slice %arg17[%dma_wait3A_455, %dma_wait3A_456] : memref<32x64xf32, #tpu.memory_space<vmem>> -> memref<1x64xf32, #tpu.memory_space<vmem>>
    tpu.wait_dma2 semaphore(%arg18 : memref<!tpu.dma_semaphore, #tpu.memory_space<semaphore_mem>>) src(%dma_wait3A_457 : memref<1x64xf32, #tpu.memory_space<vmem>>) dst(%dma_wait3A_454 : memref<1x64xf32, #tpu.memory_space<any>>)
    %dma_wait3A_458 = arith.constant 0 : i32
    %dma_wait3A_459 = tpu.memref_slice %arg16[%arg0, %get3A_212, %dma_wait3A_458] : memref<16x4096x64xf32, #tpu.memory_space<any>> -> memref<1x1x64xf32, #tpu.memory_space<any>>
    %dma_wait3A_460 = tpu.memref_squeeze %dma_wait3A_459 : memref<1x1x64xf32, #tpu.memory_space<any>> -> memref<1x64xf32, #tpu.memory_space<any>>
    %dma_wait3A_461 = arith.constant 13 : i32
    %dma_wait3A_462 = arith.constant 0 : i32
    %dma_wait3A_463 = tpu.memref_slice %arg17[%dma_wait3A_461, %dma_wait3A_462] : memref<32x64xf32, #tpu.memory_space<vmem>> -> memref<1x64xf32, #tpu.memory_space<vmem>>
    tpu.wait_dma2 semaphore(%arg18 : memref<!tpu.dma_semaphore, #tpu.memory_space<semaphore_mem>>) src(%dma_wait3A_463 : memref<1x64xf32, #tpu.memory_space<vmem>>) dst(%dma_wait3A_460 : memref<1x64xf32, #tpu.memory_space<any>>)
    %dma_wait3A_464 = arith.constant 0 : i32
    %dma_wait3A_465 = tpu.memref_slice %arg16[%arg0, %get3A_221, %dma_wait3A_464] : memref<16x4096x64xf32, #tpu.memory_space<any>> -> memref<1x1x64xf32, #tpu.memory_space<any>>
    %dma_wait3A_466 = tpu.memref_squeeze %dma_wait3A_465 : memref<1x1x64xf32, #tpu.memory_space<any>> -> memref<1x64xf32, #tpu.memory_space<any>>
    %dma_wait3A_467 = arith.constant 14 : i32
    %dma_wait3A_468 = arith.constant 0 : i32
    %dma_wait3A_469 = tpu.memref_slice %arg17[%dma_wait3A_467, %dma_wait3A_468] : memref<32x64xf32, #tpu.memory_space<vmem>> -> memref<1x64xf32, #tpu.memory_space<vmem>>
    tpu.wait_dma2 semaphore(%arg18 : memref<!tpu.dma_semaphore, #tpu.memory_space<semaphore_mem>>) src(%dma_wait3A_469 : memref<1x64xf32, #tpu.memory_space<vmem>>) dst(%dma_wait3A_466 : memref<1x64xf32, #tpu.memory_space<any>>)
    %dma_wait3A_470 = arith.constant 0 : i32
    %dma_wait3A_471 = tpu.memref_slice %arg16[%arg0, %get3A_230, %dma_wait3A_470] : memref<16x4096x64xf32, #tpu.memory_space<any>> -> memref<1x1x64xf32, #tpu.memory_space<any>>
    %dma_wait3A_472 = tpu.memref_squeeze %dma_wait3A_471 : memref<1x1x64xf32, #tpu.memory_space<any>> -> memref<1x64xf32, #tpu.memory_space<any>>
    %dma_wait3A_473 = arith.constant 15 : i32
    %dma_wait3A_474 = arith.constant 0 : i32
    %dma_wait3A_475 = tpu.memref_slice %arg17[%dma_wait3A_473, %dma_wait3A_474] : memref<32x64xf32, #tpu.memory_space<vmem>> -> memref<1x64xf32, #tpu.memory_space<vmem>>
    tpu.wait_dma2 semaphore(%arg18 : memref<!tpu.dma_semaphore, #tpu.memory_space<semaphore_mem>>) src(%dma_wait3A_475 : memref<1x64xf32, #tpu.memory_space<vmem>>) dst(%dma_wait3A_472 : memref<1x64xf32, #tpu.memory_space<any>>)
    %dma_wait3A_476 = arith.constant 0 : i32
    %dma_wait3A_477 = tpu.memref_slice %arg16[%arg0, %get3A_239, %dma_wait3A_476] : memref<16x4096x64xf32, #tpu.memory_space<any>> -> memref<1x1x64xf32, #tpu.memory_space<any>>
    %dma_wait3A_478 = tpu.memref_squeeze %dma_wait3A_477 : memref<1x1x64xf32, #tpu.memory_space<any>> -> memref<1x64xf32, #tpu.memory_space<any>>
    %dma_wait3A_479 = arith.constant 16 : i32
    %dma_wait3A_480 = arith.constant 0 : i32
    %dma_wait3A_481 = tpu.memref_slice %arg17[%dma_wait3A_479, %dma_wait3A_480] : memref<32x64xf32, #tpu.memory_space<vmem>> -> memref<1x64xf32, #tpu.memory_space<vmem>>
    tpu.wait_dma2 semaphore(%arg18 : memref<!tpu.dma_semaphore, #tpu.memory_space<semaphore_mem>>) src(%dma_wait3A_481 : memref<1x64xf32, #tpu.memory_space<vmem>>) dst(%dma_wait3A_478 : memref<1x64xf32, #tpu.memory_space<any>>)
    %dma_wait3A_482 = arith.constant 0 : i32
    %dma_wait3A_483 = tpu.memref_slice %arg16[%arg0, %get3A_248, %dma_wait3A_482] : memref<16x4096x64xf32, #tpu.memory_space<any>> -> memref<1x1x64xf32, #tpu.memory_space<any>>
    %dma_wait3A_484 = tpu.memref_squeeze %dma_wait3A_483 : memref<1x1x64xf32, #tpu.memory_space<any>> -> memref<1x64xf32, #tpu.memory_space<any>>
    %dma_wait3A_485 = arith.constant 17 : i32
    %dma_wait3A_486 = arith.constant 0 : i32
    %dma_wait3A_487 = tpu.memref_slice %arg17[%dma_wait3A_485, %dma_wait3A_486] : memref<32x64xf32, #tpu.memory_space<vmem>> -> memref<1x64xf32, #tpu.memory_space<vmem>>
    tpu.wait_dma2 semaphore(%arg18 : memref<!tpu.dma_semaphore, #tpu.memory_space<semaphore_mem>>) src(%dma_wait3A_487 : memref<1x64xf32, #tpu.memory_space<vmem>>) dst(%dma_wait3A_484 : memref<1x64xf32, #tpu.memory_space<any>>)
    %dma_wait3A_488 = arith.constant 0 : i32
    %dma_wait3A_489 = tpu.memref_slice %arg16[%arg0, %get3A_257, %dma_wait3A_488] : memref<16x4096x64xf32, #tpu.memory_space<any>> -> memref<1x1x64xf32, #tpu.memory_space<any>>
    %dma_wait3A_490 = tpu.memref_squeeze %dma_wait3A_489 : memref<1x1x64xf32, #tpu.memory_space<any>> -> memref<1x64xf32, #tpu.memory_space<any>>
    %dma_wait3A_491 = arith.constant 18 : i32
    %dma_wait3A_492 = arith.constant 0 : i32
    %dma_wait3A_493 = tpu.memref_slice %arg17[%dma_wait3A_491, %dma_wait3A_492] : memref<32x64xf32, #tpu.memory_space<vmem>> -> memref<1x64xf32, #tpu.memory_space<vmem>>
    tpu.wait_dma2 semaphore(%arg18 : memref<!tpu.dma_semaphore, #tpu.memory_space<semaphore_mem>>) src(%dma_wait3A_493 : memref<1x64xf32, #tpu.memory_space<vmem>>) dst(%dma_wait3A_490 : memref<1x64xf32, #tpu.memory_space<any>>)
    %dma_wait3A_494 = arith.constant 0 : i32
    %dma_wait3A_495 = tpu.memref_slice %arg16[%arg0, %get3A_266, %dma_wait3A_494] : memref<16x4096x64xf32, #tpu.memory_space<any>> -> memref<1x1x64xf32, #tpu.memory_space<any>>
    %dma_wait3A_496 = tpu.memref_squeeze %dma_wait3A_495 : memref<1x1x64xf32, #tpu.memory_space<any>> -> memref<1x64xf32, #tpu.memory_space<any>>
    %dma_wait3A_497 = arith.constant 19 : i32
    %dma_wait3A_498 = arith.constant 0 : i32
    %dma_wait3A_499 = tpu.memref_slice %arg17[%dma_wait3A_497, %dma_wait3A_498] : memref<32x64xf32, #tpu.memory_space<vmem>> -> memref<1x64xf32, #tpu.memory_space<vmem>>
    tpu.wait_dma2 semaphore(%arg18 : memref<!tpu.dma_semaphore, #tpu.memory_space<semaphore_mem>>) src(%dma_wait3A_499 : memref<1x64xf32, #tpu.memory_space<vmem>>) dst(%dma_wait3A_496 : memref<1x64xf32, #tpu.memory_space<any>>)
    %dma_wait3A_500 = arith.constant 0 : i32
    %dma_wait3A_501 = tpu.memref_slice %arg16[%arg0, %get3A_275, %dma_wait3A_500] : memref<16x4096x64xf32, #tpu.memory_space<any>> -> memref<1x1x64xf32, #tpu.memory_space<any>>
    %dma_wait3A_502 = tpu.memref_squeeze %dma_wait3A_501 : memref<1x1x64xf32, #tpu.memory_space<any>> -> memref<1x64xf32, #tpu.memory_space<any>>
    %dma_wait3A_503 = arith.constant 20 : i32
    %dma_wait3A_504 = arith.constant 0 : i32
    %dma_wait3A_505 = tpu.memref_slice %arg17[%dma_wait3A_503, %dma_wait3A_504] : memref<32x64xf32, #tpu.memory_space<vmem>> -> memref<1x64xf32, #tpu.memory_space<vmem>>
    tpu.wait_dma2 semaphore(%arg18 : memref<!tpu.dma_semaphore, #tpu.memory_space<semaphore_mem>>) src(%dma_wait3A_505 : memref<1x64xf32, #tpu.memory_space<vmem>>) dst(%dma_wait3A_502 : memref<1x64xf32, #tpu.memory_space<any>>)
    %dma_wait3A_506 = arith.constant 0 : i32
    %dma_wait3A_507 = tpu.memref_slice %arg16[%arg0, %get3A_284, %dma_wait3A_506] : memref<16x4096x64xf32, #tpu.memory_space<any>> -> memref<1x1x64xf32, #tpu.memory_space<any>>
    %dma_wait3A_508 = tpu.memref_squeeze %dma_wait3A_507 : memref<1x1x64xf32, #tpu.memory_space<any>> -> memref<1x64xf32, #tpu.memory_space<any>>
    %dma_wait3A_509 = arith.constant 21 : i32
    %dma_wait3A_510 = arith.constant 0 : i32
    %dma_wait3A_511 = tpu.memref_slice %arg17[%dma_wait3A_509, %dma_wait3A_510] : memref<32x64xf32, #tpu.memory_space<vmem>> -> memref<1x64xf32, #tpu.memory_space<vmem>>
    tpu.wait_dma2 semaphore(%arg18 : memref<!tpu.dma_semaphore, #tpu.memory_space<semaphore_mem>>) src(%dma_wait3A_511 : memref<1x64xf32, #tpu.memory_space<vmem>>) dst(%dma_wait3A_508 : memref<1x64xf32, #tpu.memory_space<any>>)
    %dma_wait3A_512 = arith.constant 0 : i32
    %dma_wait3A_513 = tpu.memref_slice %arg16[%arg0, %get3A_293, %dma_wait3A_512] : memref<16x4096x64xf32, #tpu.memory_space<any>> -> memref<1x1x64xf32, #tpu.memory_space<any>>
    %dma_wait3A_514 = tpu.memref_squeeze %dma_wait3A_513 : memref<1x1x64xf32, #tpu.memory_space<any>> -> memref<1x64xf32, #tpu.memory_space<any>>
    %dma_wait3A_515 = arith.constant 22 : i32
    %dma_wait3A_516 = arith.constant 0 : i32
    %dma_wait3A_517 = tpu.memref_slice %arg17[%dma_wait3A_515, %dma_wait3A_516] : memref<32x64xf32, #tpu.memory_space<vmem>> -> memref<1x64xf32, #tpu.memory_space<vmem>>
    tpu.wait_dma2 semaphore(%arg18 : memref<!tpu.dma_semaphore, #tpu.memory_space<semaphore_mem>>) src(%dma_wait3A_517 : memref<1x64xf32, #tpu.memory_space<vmem>>) dst(%dma_wait3A_514 : memref<1x64xf32, #tpu.memory_space<any>>)
    %dma_wait3A_518 = arith.constant 0 : i32
    %dma_wait3A_519 = tpu.memref_slice %arg16[%arg0, %get3A_302, %dma_wait3A_518] : memref<16x4096x64xf32, #tpu.memory_space<any>> -> memref<1x1x64xf32, #tpu.memory_space<any>>
    %dma_wait3A_520 = tpu.memref_squeeze %dma_wait3A_519 : memref<1x1x64xf32, #tpu.memory_space<any>> -> memref<1x64xf32, #tpu.memory_space<any>>
    %dma_wait3A_521 = arith.constant 23 : i32
    %dma_wait3A_522 = arith.constant 0 : i32
    %dma_wait3A_523 = tpu.memref_slice %arg17[%dma_wait3A_521, %dma_wait3A_522] : memref<32x64xf32, #tpu.memory_space<vmem>> -> memref<1x64xf32, #tpu.memory_space<vmem>>
    tpu.wait_dma2 semaphore(%arg18 : memref<!tpu.dma_semaphore, #tpu.memory_space<semaphore_mem>>) src(%dma_wait3A_523 : memref<1x64xf32, #tpu.memory_space<vmem>>) dst(%dma_wait3A_520 : memref<1x64xf32, #tpu.memory_space<any>>)
    %dma_wait3A_524 = arith.constant 0 : i32
    %dma_wait3A_525 = tpu.memref_slice %arg16[%arg0, %get3A_311, %dma_wait3A_524] : memref<16x4096x64xf32, #tpu.memory_space<any>> -> memref<1x1x64xf32, #tpu.memory_space<any>>
    %dma_wait3A_526 = tpu.memref_squeeze %dma_wait3A_525 : memref<1x1x64xf32, #tpu.memory_space<any>> -> memref<1x64xf32, #tpu.memory_space<any>>
    %dma_wait3A_527 = arith.constant 24 : i32
    %dma_wait3A_528 = arith.constant 0 : i32
    %dma_wait3A_529 = tpu.memref_slice %arg17[%dma_wait3A_527, %dma_wait3A_528] : memref<32x64xf32, #tpu.memory_space<vmem>> -> memref<1x64xf32, #tpu.memory_space<vmem>>
    tpu.wait_dma2 semaphore(%arg18 : memref<!tpu.dma_semaphore, #tpu.memory_space<semaphore_mem>>) src(%dma_wait3A_529 : memref<1x64xf32, #tpu.memory_space<vmem>>) dst(%dma_wait3A_526 : memref<1x64xf32, #tpu.memory_space<any>>)
    %dma_wait3A_530 = arith.constant 0 : i32
    %dma_wait3A_531 = tpu.memref_slice %arg16[%arg0, %get3A_320, %dma_wait3A_530] : memref<16x4096x64xf32, #tpu.memory_space<any>> -> memref<1x1x64xf32, #tpu.memory_space<any>>
    %dma_wait3A_532 = tpu.memref_squeeze %dma_wait3A_531 : memref<1x1x64xf32, #tpu.memory_space<any>> -> memref<1x64xf32, #tpu.memory_space<any>>
    %dma_wait3A_533 = arith.constant 25 : i32
    %dma_wait3A_534 = arith.constant 0 : i32
    %dma_wait3A_535 = tpu.memref_slice %arg17[%dma_wait3A_533, %dma_wait3A_534] : memref<32x64xf32, #tpu.memory_space<vmem>> -> memref<1x64xf32, #tpu.memory_space<vmem>>
    tpu.wait_dma2 semaphore(%arg18 : memref<!tpu.dma_semaphore, #tpu.memory_space<semaphore_mem>>) src(%dma_wait3A_535 : memref<1x64xf32, #tpu.memory_space<vmem>>) dst(%dma_wait3A_532 : memref<1x64xf32, #tpu.memory_space<any>>)
    %dma_wait3A_536 = arith.constant 0 : i32
    %dma_wait3A_537 = tpu.memref_slice %arg16[%arg0, %get3A_329, %dma_wait3A_536] : memref<16x4096x64xf32, #tpu.memory_space<any>> -> memref<1x1x64xf32, #tpu.memory_space<any>>
    %dma_wait3A_538 = tpu.memref_squeeze %dma_wait3A_537 : memref<1x1x64xf32, #tpu.memory_space<any>> -> memref<1x64xf32, #tpu.memory_space<any>>
    %dma_wait3A_539 = arith.constant 26 : i32
    %dma_wait3A_540 = arith.constant 0 : i32
    %dma_wait3A_541 = tpu.memref_slice %arg17[%dma_wait3A_539, %dma_wait3A_540] : memref<32x64xf32, #tpu.memory_space<vmem>> -> memref<1x64xf32, #tpu.memory_space<vmem>>
    tpu.wait_dma2 semaphore(%arg18 : memref<!tpu.dma_semaphore, #tpu.memory_space<semaphore_mem>>) src(%dma_wait3A_541 : memref<1x64xf32, #tpu.memory_space<vmem>>) dst(%dma_wait3A_538 : memref<1x64xf32, #tpu.memory_space<any>>)
    %dma_wait3A_542 = arith.constant 0 : i32
    %dma_wait3A_543 = tpu.memref_slice %arg16[%arg0, %get3A_338, %dma_wait3A_542] : memref<16x4096x64xf32, #tpu.memory_space<any>> -> memref<1x1x64xf32, #tpu.memory_space<any>>
    %dma_wait3A_544 = tpu.memref_squeeze %dma_wait3A_543 : memref<1x1x64xf32, #tpu.memory_space<any>> -> memref<1x64xf32, #tpu.memory_space<any>>
    %dma_wait3A_545 = arith.constant 27 : i32
    %dma_wait3A_546 = arith.constant 0 : i32
    %dma_wait3A_547 = tpu.memref_slice %arg17[%dma_wait3A_545, %dma_wait3A_546] : memref<32x64xf32, #tpu.memory_space<vmem>> -> memref<1x64xf32, #tpu.memory_space<vmem>>
    tpu.wait_dma2 semaphore(%arg18 : memref<!tpu.dma_semaphore, #tpu.memory_space<semaphore_mem>>) src(%dma_wait3A_547 : memref<1x64xf32, #tpu.memory_space<vmem>>) dst(%dma_wait3A_544 : memref<1x64xf32, #tpu.memory_space<any>>)
    %dma_wait3A_548 = arith.constant 0 : i32
    %dma_wait3A_549 = tpu.memref_slice %arg16[%arg0, %get3A_347, %dma_wait3A_548] : memref<16x4096x64xf32, #tpu.memory_space<any>> -> memref<1x1x64xf32, #tpu.memory_space<any>>
    %dma_wait3A_550 = tpu.memref_squeeze %dma_wait3A_549 : memref<1x1x64xf32, #tpu.memory_space<any>> -> memref<1x64xf32, #tpu.memory_space<any>>
    %dma_wait3A_551 = arith.constant 28 : i32
    %dma_wait3A_552 = arith.constant 0 : i32
    %dma_wait3A_553 = tpu.memref_slice %arg17[%dma_wait3A_551, %dma_wait3A_552] : memref<32x64xf32, #tpu.memory_space<vmem>> -> memref<1x64xf32, #tpu.memory_space<vmem>>
    tpu.wait_dma2 semaphore(%arg18 : memref<!tpu.dma_semaphore, #tpu.memory_space<semaphore_mem>>) src(%dma_wait3A_553 : memref<1x64xf32, #tpu.memory_space<vmem>>) dst(%dma_wait3A_550 : memref<1x64xf32, #tpu.memory_space<any>>)
    %dma_wait3A_554 = arith.constant 0 : i32
    %dma_wait3A_555 = tpu.memref_slice %arg16[%arg0, %get3A_356, %dma_wait3A_554] : memref<16x4096x64xf32, #tpu.memory_space<any>> -> memref<1x1x64xf32, #tpu.memory_space<any>>
    %dma_wait3A_556 = tpu.memref_squeeze %dma_wait3A_555 : memref<1x1x64xf32, #tpu.memory_space<any>> -> memref<1x64xf32, #tpu.memory_space<any>>
    %dma_wait3A_557 = arith.constant 29 : i32
    %dma_wait3A_558 = arith.constant 0 : i32
    %dma_wait3A_559 = tpu.memref_slice %arg17[%dma_wait3A_557, %dma_wait3A_558] : memref<32x64xf32, #tpu.memory_space<vmem>> -> memref<1x64xf32, #tpu.memory_space<vmem>>
    tpu.wait_dma2 semaphore(%arg18 : memref<!tpu.dma_semaphore, #tpu.memory_space<semaphore_mem>>) src(%dma_wait3A_559 : memref<1x64xf32, #tpu.memory_space<vmem>>) dst(%dma_wait3A_556 : memref<1x64xf32, #tpu.memory_space<any>>)
    %dma_wait3A_560 = arith.constant 0 : i32
    %dma_wait3A_561 = tpu.memref_slice %arg16[%arg0, %get3A_365, %dma_wait3A_560] : memref<16x4096x64xf32, #tpu.memory_space<any>> -> memref<1x1x64xf32, #tpu.memory_space<any>>
    %dma_wait3A_562 = tpu.memref_squeeze %dma_wait3A_561 : memref<1x1x64xf32, #tpu.memory_space<any>> -> memref<1x64xf32, #tpu.memory_space<any>>
    %dma_wait3A_563 = arith.constant 30 : i32
    %dma_wait3A_564 = arith.constant 0 : i32
    %dma_wait3A_565 = tpu.memref_slice %arg17[%dma_wait3A_563, %dma_wait3A_564] : memref<32x64xf32, #tpu.memory_space<vmem>> -> memref<1x64xf32, #tpu.memory_space<vmem>>
    tpu.wait_dma2 semaphore(%arg18 : memref<!tpu.dma_semaphore, #tpu.memory_space<semaphore_mem>>) src(%dma_wait3A_565 : memref<1x64xf32, #tpu.memory_space<vmem>>) dst(%dma_wait3A_562 : memref<1x64xf32, #tpu.memory_space<any>>)
    %dma_wait3A_566 = arith.constant 0 : i32
    %dma_wait3A_567 = tpu.memref_slice %arg16[%arg0, %get3A_374, %dma_wait3A_566] : memref<16x4096x64xf32, #tpu.memory_space<any>> -> memref<1x1x64xf32, #tpu.memory_space<any>>
    %dma_wait3A_568 = tpu.memref_squeeze %dma_wait3A_567 : memref<1x1x64xf32, #tpu.memory_space<any>> -> memref<1x64xf32, #tpu.memory_space<any>>
    %dma_wait3A_569 = arith.constant 31 : i32
    %dma_wait3A_570 = arith.constant 0 : i32
    %dma_wait3A_571 = tpu.memref_slice %arg17[%dma_wait3A_569, %dma_wait3A_570] : memref<32x64xf32, #tpu.memory_space<vmem>> -> memref<1x64xf32, #tpu.memory_space<vmem>>
    tpu.wait_dma2 semaphore(%arg18 : memref<!tpu.dma_semaphore, #tpu.memory_space<semaphore_mem>>) src(%dma_wait3A_571 : memref<1x64xf32, #tpu.memory_space<vmem>>) dst(%dma_wait3A_568 : memref<1x64xf32, #tpu.memory_space<any>>)
    return
  }
  func.func @transform_0(%arg0: i32) -> (i32, i32) {
    %c0_i32 = arith.constant 0 : i32
    %c0_i32_0 = arith.constant 0 : i32
    %c0_i32_1 = arith.constant 0 : i32
    return %c0_i32, %c0_i32_0 : i32, i32
  }
  func.func @transform_1(%arg0: i32) -> (i32, i32, i32) {
    %c0_i32 = arith.constant 0 : i32
    %c0_i32_0 = arith.constant 0 : i32
    %c0_i32_1 = arith.constant 0 : i32
    return %arg0, %c0_i32, %c0_i32_0 : i32, i32, i32
  }
  func.func @transform_2(%arg0: i32) -> (i32, i32, i32) {
    %c0_i32 = arith.constant 0 : i32
    %c0_i32_0 = arith.constant 0 : i32
    %c0_i32_1 = arith.constant 0 : i32
    return %arg0, %c0_i32, %c0_i32_0 : i32, i32, i32
  }
  func.func @transform_3(%arg0: i32) -> (i32, i32, i32) {
    %c0_i32 = arith.constant 0 : i32
    %c0_i32_0 = arith.constant 0 : i32
    %c0_i32_1 = arith.constant 0 : i32
    return %arg0, %c0_i32, %c0_i32_0 : i32, i32, i32
  }
  func.func @transform_4(%arg0: i32) -> (i32, i32, i32) {
    %c0_i32 = arith.constant 0 : i32
    %c0_i32_0 = arith.constant 0 : i32
    %c0_i32_1 = arith.constant 0 : i32
    return %arg0, %c0_i32, %c0_i32_0 : i32, i32, i32
  }
  func.func @transform_5(%arg0: i32) -> (i32, i32, i32) {
    %c0_i32 = arith.constant 0 : i32
    %c0_i32_0 = arith.constant 0 : i32
    %c0_i32_1 = arith.constant 0 : i32
    return %arg0, %c0_i32, %c0_i32_0 : i32, i32, i32
  }
  func.func @transform_6(%arg0: i32) -> (i32, i32, i32) {
    %c0_i32 = arith.constant 0 : i32
    %c0_i32_0 = arith.constant 0 : i32
    %c0_i32_1 = arith.constant 0 : i32
    return %arg0, %c0_i32, %c0_i32_0 : i32, i32, i32
  }
  func.func @transform_7(%arg0: i32) -> (i32, i32, i32) {
    %c0_i32 = arith.constant 0 : i32
    %c0_i32_0 = arith.constant 0 : i32
    %c0_i32_1 = arith.constant 0 : i32
    return %arg0, %c0_i32, %c0_i32_0 : i32, i32, i32
  }
  func.func @transform_8(%arg0: i32) -> (i32, i32, i32) {
    %c0_i32 = arith.constant 0 : i32
    %c0_i32_0 = arith.constant 0 : i32
    %c0_i32_1 = arith.constant 0 : i32
    return %arg0, %c0_i32, %c0_i32_0 : i32, i32, i32
  }
  func.func @transform_9(%arg0: i32) -> (i32, i32, i32) {
    %c0_i32 = arith.constant 0 : i32
    %c0_i32_0 = arith.constant 0 : i32
    %c0_i32_1 = arith.constant 0 : i32
    return %arg0, %c0_i32, %c0_i32_0 : i32, i32, i32
  }
  func.func @transform_10(%arg0: i32) -> (i32, i32) {
    %c0_i32 = arith.constant 0 : i32
    %c0_i32_0 = arith.constant 0 : i32
    %c0_i32_1 = arith.constant 0 : i32
    return %c0_i32, %c0_i32_0 : i32, i32
  }
  func.func @transform_12(%arg0: i32) -> (i32, i32, i32) {
    %c0_i32 = arith.constant 0 : i32
    %c0_i32_0 = arith.constant 0 : i32
    %c0_i32_1 = arith.constant 0 : i32
    return %arg0, %c0_i32, %c0_i32_0 : i32, i32, i32
  }
  func.func @transform_13(%arg0: i32) -> (i32, i32, i32) {
    %c0_i32 = arith.constant 0 : i32
    %c0_i32_0 = arith.constant 0 : i32
    %c0_i32_1 = arith.constant 0 : i32
    return %arg0, %c0_i32, %c0_i32_0 : i32, i32, i32
  }
  func.func @transform_14(%arg0: i32) -> (i32, i32, i32) {
    %c0_i32 = arith.constant 0 : i32
    %c0_i32_0 = arith.constant 0 : i32
    %c0_i32_1 = arith.constant 0 : i32
    return %arg0, %c0_i32, %c0_i32_0 : i32, i32, i32
  }
}

</mosaic_0001>

<sc_bundles>
// kernel: kernel.4.cloned.1.call-start
scs
__scs_entry_jumppad:
0x0: {  	(pc) =	sbr.rel $0x88, $3  }
0x1: {  	(tag) =	ssettag $0x0;
	lr =	simm.s32 $0x1  }
0x2: {  	[smem:$0x3F9A] =	sst lr;
	_ =	strace $0xD0000000  }
0x3: {  	_ = 	snop  }
0x4: {  	_ = 	snop  }
0x5: {  	_ = 	snop  }
0x6: {  	_ = 	snop  }
0x7: {  	_ = 	snop  }
__scs_overlays_trampoline_lowered:
0x8: {  	[smem:$0x3FA9] =	sst s0  }
0x9: {  	[smem:$0x3FAA] =	sst s1  }
0xa: {  	[smem:$0x3FAB] =	sst s2  }
0xb: {  	[smem:$0x3FAC] =	sst s3  }
0xc: {  	[smem:$0x3FAD] =	sst s4  }
0xd: {  	[smem:$0x3FAE] =	sst s5  }
0xe: {  	[smem:$0x3FAF] =	sst s6  }
0xf: {  	[smem:$0x3FB0] =	sst s7  }
0x10: {  	[smem:$0x3FB1] =	sst s8  }
0x11: {  	[smem:$0x3FB2] =	sst s9;
	s0 =	simm.s32 @!p0 $0x0  }
0x12: {  	s1 =	sld [smem:$0x3F98];
	s0 =	simm.s32 @p0 $0x1  }
0x13: {  	[smem:$0x3FB3] =	sst s0;
	s0 =	simm.s32 @!p1 $0x0  }
0x14: {  	s2 =	sld [smem:$0x3F97];
	s0 =	simm.s32 @p1 $0x1  }
0x15: {  	[smem:$0x3FB4] =	sst s0;
	s0 =	simm.s32 @!p2 $0x0  }
0x16: {  	s3 =	sld [smem:$0x3FDB];
	s0 =	simm.s32 @p2 $0x1  }
0x17: {  	s4 =	simm.s32 $0x1BF5;
	[smem:$0x3FB6] =	sst s0  }
0x18: {  	s0 =	sld [smem:$0x3F99];
	_ =	swait.ge [sflag:s4], $0x0  }
0x19: {  	s7 =	sld [smem:$0x3F9A]  }
0x1a: {  	s8 =	sadd.s32 $0xFFFFE003, lr  }
0x1b: {  	s9 =	sadd.s32 $0xFFFFFEF7, lr;
	s5 =	simm.s32 $0xFFFFFFFF;
	p2 =	slt.u32 s8, $0xFFFFF086  }
0x1c: {  	p1 =	slt.u32 s9, $0xF7A;
	s5 =	simm.s32 @!p2 $0x0  }
0x1d: {  	s5 =	simm.s32 @p1 $0x1;
	p0 =	seq.s32 s7, s2  }
0x1e: {  	s7 =	smul.u32 @!p0 $0xF7A, s2;
	p2 =	seq.s32 @!p0 s5, $0x0  }
0x1f: {  	s9 =	smul.u32 $0xF7A, s1;
	s8 =	simm.s32 @!p0 $0x1BF5;
	p2 =	por !p2, p0  }
0x20: {  	[sflag:s8] =	ssyncset.s32 @!p0 $0xFFFFF086;
	s6 =	sadd.s32 @!p0 s3, s7;
	s7 =	simm.s32 @!p0 $0x108  }
0x21: {  	s3 =	sadd.s32 s3, s9;
	s6 =	sadd.s32 @!p0 $0x88, s6;
	s7 =	simm.s32 @p2 $0x1082  }
0x22: {  	[simem:s7], [sflag:s8] =	dma.local @!p0 [hbm:s6], $0xF7A  }
0x23: {  	s9 =	sor.u32 $0xD0000000, s2;
	s6 =	simm.s32 $0x108;
	_ =	swait.ge @!p0 [sflag:s8], $0x0  }
0x24: {  	s3 =	sadd.s32 $0x88, s3;
	s6 =	simm.s32 @!p1 $0x1082;
	[sflag:s4] =	ssyncset.s32 $0xFFFFF086  }
0x25: {  	[simem:s6], [sflag:s4] =	dma.local [hbm:s3], $0xF7A  }
0x26: {  	[smem:$0x3F9A] =	sst s1;
	(tag) =	ssettag s2;
	_ =	strace s9  }
0x27: {  	s1 =	sld [smem:$0x3FAA]  }
0x28: {  	s2 =	sld [smem:$0x3FAB]  }
0x29: {  	s4 =	sld [smem:$0x3FAD]  }
0x2a: {  	p0 =	seq.s32 s5, $0x0;
	s5 =	sld [smem:$0x3FAE]  }
0x2b: {  	s6 =	sld [smem:$0x3FAF]  }
0x2c: {  	s7 =	sld [smem:$0x3FB0]  }
0x2d: {  	s3 =	simm.s32 $0x108;
	s8 =	sld [smem:$0x3FB1]  }
0x2e: {  	s3 =	simm.s32 @!p0 $0x1082;
	s9 =	sld [smem:$0x3FB2]  }
0x2f: {  	lr =	sadd.s32 s0, s3;
	s0 =	sld [smem:$0x3FA9]  }
0x30: {  	s3 =	sld [smem:$0x3FAC]  }
0x31: {  	[smem:$0x3FB5] =	sst s10  }
0x32: {  	s10 =	sld [smem:$0x3FB3];
	_ =	sdelay $0x3  }
0x33: {  	p0 =	seq.s32 s10, $0x1;
	s10 =	sld [smem:$0x3FB5];
	_ =	sdelay $0x3  }
0x34: {  	[smem:$0x3FB5] =	sst s10  }
0x35: {  	s10 =	sld [smem:$0x3FB4];
	_ =	sdelay $0x3  }
0x36: {  	p1 =	seq.s32 s10, $0x1;
	s10 =	sld [smem:$0x3FB5];
	_ =	sdelay $0x3  }
0x37: {  	[smem:$0x3FB5] =	sst s10  }
0x38: {  	s10 =	sld [smem:$0x3FB6]  }
0x39: {  	_ = 	snop;
	(pc) =	sbr.ind lr, $3  }
0x3a: {  	_ = 	snop  }
0x3b: {  	_ = 	snop  }
0x3c: {  	p2 =	seq.s32 s10, $0x1;
	s10 =	sld [smem:$0x3FB5]  }
0x3d: {  	_ =	shalt  }
0x3e: {  	_ =	shalt  }
0x3f: {  	_ =	shalt  }
0x40: {  	_ =	shalt  }
0x41: {  	_ =	shalt  }
0x42: {  	_ =	shalt  }
0x43: {  	_ =	shalt  }
0x44: {  	_ =	shalt  }
0x45: {  	_ =	shalt  }
0x46: {  	_ =	shalt  }
0x47: {  	_ =	shalt  }
0x48: {  	_ =	shalt  }
0x49: {  	_ =	shalt  }
0x4a: {  	_ =	shalt  }
0x4b: {  	_ =	shalt  }
0x4c: {  	_ =	shalt  }
0x4d: {  	_ =	shalt  }
0x4e: {  	_ =	shalt  }
0x4f: {  	_ =	shalt  }
0x50: {  	_ =	shalt  }
0x51: {  	_ =	shalt  }
0x52: {  	_ =	shalt  }
0x53: {  	_ =	shalt  }
0x54: {  	_ =	shalt  }
0x55: {  	_ =	shalt  }
0x56: {  	_ =	shalt  }
0x57: {  	_ =	shalt  }
0x58: {  	_ =	shalt  }
0x59: {  	_ =	shalt  }
0x5a: {  	_ =	shalt  }
0x5b: {  	_ =	shalt  }
0x5c: {  	_ =	shalt  }
0x5d: {  	_ =	shalt  }
0x5e: {  	_ =	shalt  }
0x5f: {  	_ =	shalt  }
0x60: {  	_ =	shalt  }
0x61: {  	_ =	shalt  }
0x62: {  	_ =	shalt  }
0x63: {  	_ =	shalt  }
0x64: {  	_ =	shalt  }
0x65: {  	_ =	shalt  }
0x66: {  	_ =	shalt  }
0x67: {  	_ =	shalt  }
0x68: {  	_ =	shalt  }
0x69: {  	_ =	shalt  }
0x6a: {  	_ =	shalt  }
0x6b: {  	_ =	shalt  }
0x6c: {  	_ =	shalt  }
0x6d: {  	_ =	shalt  }
0x6e: {  	_ =	shalt  }
0x6f: {  	_ =	shalt  }
0x70: {  	_ =	shalt  }
0x71: {  	_ =	shalt  }
0x72: {  	_ =	shalt  }
0x73: {  	_ =	shalt  }
0x74: {  	_ =	shalt  }
0x75: {  	_ =	shalt  }
0x76: {  	_ =	shalt  }
0x77: {  	_ =	shalt  }
0x78: {  	_ =	shalt  }
0x79: {  	_ =	shalt  }
0x7a: {  	_ =	shalt  }
0x7b: {  	_ =	shalt  }
0x7c: {  	_ =	shalt  }
0x7d: {  	_ =	shalt  }
0x7e: {  	_ =	shalt  }
0x7f: {  	_ =	shalt  }
0x80: {  	_ =	shalt  }
0x81: {  	_ =	shalt  }
0x82: {  	_ =	shalt  }
0x83: {  	_ =	shalt  }
0x84: {  	_ =	shalt  }
0x85: {  	_ =	shalt  }
0x86: {  	_ =	shalt  }
0x87: {  	_ =	shalt  }
.Lfunc_end0:
.L_simem_size_0:
called_computation_lowered:
.L_overlay_start_0:
0x88: {  	s2 =	sld [smem:$0x3FD9]  }
0x89: {  	s3 =	sld [smem:$0x3FFE];
	_ =	sdelay $0x1  }
0x8a: {  	s1 =	srdreg.scid  }
0x8b: {  	s0 =	sand.u32 $0x1, s1  }
0x8c: {  	s14 =	sshll.u32 s0, $0xA;
	s2 =	sadd.s32 s3, s2  }
0x8d: {  	s2 =	sadd.s32 s2, s14  }
0x8e: {  	[smem:$0x3FC1] =	sst s2  }
0x8f: {  	_ = 	snop  }
0x90: {  	s2 =	sld [smem:$0x3FD0];
	_ =	sdelay $0x2  }
0x91: {  	s4 =	simm.s32 $0xA;
	s5 =	simm.s32 $0x10;
	s15 =	sld [smem:$0x3FC5]  }
0x92: {  	[smem:s5], [sflag:s4] =	dma.local [hbm:s2], $0x1  }
0x93: {  	_ =	swait.eq [sflag:s4], $0x1  }
0x94: {  	[sflag:s4] =	ssyncset.done $0x0  }
0x95: {  	[sflag:s4] =	ssyncadd.s32 $0xFFFFFFFF  }
0x96: {  	s16 =	sld [smem:$0x13];
	(tm) =	ssettm $0x1  }
0x97: {  	s17 =	sld [smem:$0x3FFB];
	_ =	sdelay $0x3  }
0x98: {  	_ =	strace s17  }
0x99: {  	s4 =	sld [smem:$0x3FFC];
	_ =	sdelay $0x3  }
0x9a: {  	_ =	strace s4  }
0x9b: {  	s4 =	sld [smem:$0x3FFD];
	_ =	sdelay $0x3  }
0x9c: {  	_ =	strace s4  }
0x9d: {  	_ =	strace $0x8FFFFFFF  }
0x9e: {  	s18 =	sld [smem:$0x3FDB];
	_ =	sdelay $0x1  }
0x9f: {  	s19 =	simm.s32 $_scs_section_size  }
0xa0: {  	s6 =	simm.s32 $_size__tile_overlayer_lowered;
	s7 =	simm.s32 $_tile_overlayer_lowered  }
0xa1: {  	s22 =	simm.s32 $0x1BFF;
	s21 =	sshll.u32 s7, $0x1;
	s4 =	sadd.s32 s19, s18  }
0xa2: {  	s8 =	simm.s32 $0x0;
	s20 =	sshll.u32 s6, $0x1;
	s6 =	sadd.s32 s21, s4  }
0xa3: {  	[timem:s8], [sflag:s22] =	dma.local [hbm:s6], s20  }
0xa4: {  	_ =	swait.ge [sflag:s22], s20  }
0xa5: {  	s5 =	ssub.s32 $0x0, s20;
	[sflag:s22] =	ssyncset.done $0x0  }
0xa6: {  	[sflag:s22] =	ssyncadd.s32 s5;
	_ =	sdelay $0x1  }
0xa7: {  	s23 =	simm.s32 $0x1B8B  }
0xa8: {  	_ =	swait.ge [sflag:s23], $0x1  }
0xa9: {  	[sflag:s23] =	ssyncset.done $0x0  }
0xaa: {  	s25 =	simm.s32 $0x1B8E;
	s24 =	sld [smem:$0x3FFE];
	[sflag:s23] =	ssyncadd.s32 $0xFFFFFFFF  }
0xab: {  	s26 =	simm.s32 $execute0_lowered;
	[smem:$0x3FD2] =	sst s25  }
0xac: {  	s6 =	sshll.u32 s26, $0x1;
	_ =	strace $0x80000046;
	[dreg:$0x1] =	wrdreg $0xFFFFFFFF  }
0xad: {  	s28 =	simm.s32 $_size_execute0_lowered;
	s4 =	sadd.s32 s4, s6;
	[dreg:$0x0] =	wrdreg $0x0  }
0xae: {  	s6 =	sshll.u32 s28, $0x1;
	[dreg:$0x2] =	wrdreg s4  }
0xaf: {  	[dreg:$0x3] =	wrdreg s6  }
0xb0: {  	[dreg:$0x4] =	wrdreg $0xC0  }
0xb1: {  	_ =	task [dreg:s8], $0x5FFFF  }
0xb2: {  	[dreg:$0x1] =	wrdreg $0xFFFFFFFF  }
0xb3: {  	[dreg:$0x0] =	wrdreg $0x60  }
0xb4: {  	[dreg:$0x2] =	wrdreg s24  }
0xb5: {  	[dreg:$0x3] =	wrdreg s15  }
0xb6: {  	[dreg:$0x4] =	wrdreg s16  }
0xb7: {  	[dreg:$0x5] =	wrdreg $0x9  }
0xb8: {  	_ =	task.clear_ibuf [dreg:s8], $0x6FFFF;
	_ =	strace $0x90000046  }
0xb9: {  	s29 =	simm.s32 $0x9;
	_ =	strace $0x80000048  }
0xba: {  	_ =	swait.ge [sflag:s29], $0x1  }
0xbb: {  	[sflag:s29] =	ssyncadd.s32 $0xFFFFFFFF  }
0xbc: {  	_ =	strace $0x90000048  }
0xbd: {  	_ =	sfence  }
0xbe: {  	s30 =	sld [smem:$0x0];
	_ =	sdelay $0x2  }
0xbf: {  	s31 =	sshll.u32 s1, $0xD;
	s1 =	sshrl.u32 s1, $0x2  }
0xc0: {  	s3 =	sand.u32 $0x4000, s31;
	s1 =	sadd.s32 s1, s30  }
0xc1: {  	s0 =	sor.u32 s3, s0;
	s1 =	sshll.u32 s1, $0x11  }
0xc2: {  	s0 =	sor.u32 s1, s0  }
0xc3: {  	s0 =	sadd.s32 $0x8F2B, s0  }
0xc4: {  	[sflag:s0] =	ssyncadd.remote.s32 $0x1  }
0xc5: {  	_ =	sfence.sel $0xFFFF  }
0xc6: {  	[dreg:$0x0] =	wrdreg $0xFFFFFFFF;
	(pc) =	sbr.abs _section_cstart, $3  }
0xc7: {  	[dreg:$0x1] =	wrdreg $0xFFFFFFFF  }
0xc8: {  	_ =	task.clear_ibuf [dreg:s8], $0x2FFFF;
	_ =	strace $0x9FFFFFFF  }
0xc9: {  	(tm) =	ssettm $0x7FFFFFFF  }
tec
execute0_lowered:
.L_overlay_start_1:
0x0: {  	(tag) =	ssettag $0x1  }
0x1: {  	s6 =	rddreg [dreg:$0x0]  }
0x2: {  	s4 =	rddreg [dreg:$0x1]  }
0x3: {  	s1 =	rddreg [dreg:$0x2];
	s2 =	srdreg.scid  }
0x4: {  	s0 =	rddreg [dreg:$0x3];
	s3 =	simm.s32 $0x0;
	s8 =	sand.u32 $0x1, s2  }
0x5: {  	[smem:$0x7FF] =	sst s3;
	s2 =	stileid.u32;
	s5 =	sshll.u32 s8, $0x1  }
0x6: {  	_ =	strace $0x80000047;
	s7 =	sshll.u32 s2, $0x4;
	s4 =	sadd.s32 s4, s5  }
0x7: {  	s9 =	sshll.u32 s8, $0xA;
	s5 =	simm.s32 $0x2;
	s4 =	sadd.s32 s7, s4  }
0x8: {  	[tilespmem:s3], [sflag:$0x2] =	stream.linear.gather [hbm4b:s4+s3], $0x10, $0x38;
	[tilespmem:$0x2100] =	vst v63  }
0x9: {  	s30 =	sshll.u32 s2, $0xB;
	s6 =	sadd.s32 s9, s6;
	_ =	swait.ge [sflag:s5], $0x10  }
0xa: {  	s6 =	sadd.s32 s30, s6;
	[sflag:s5] =	ssyncset.done $0x0  }
0xb: {  	s7 =	simm.s32 $0x100;
	s6 =	sadd.s32 $0x101800, s6;
	[sflag:s5] =	ssyncadd.s32 $0xFFFFFFF0  }
0xc: {  	[tilespmem:s7], [sflag:$0x2] =	stream.linear.gather [hbm4b:s6+s3], $0x2000, $0x38;
	[tilespmem:$0x2100] =	vst v63  }
0xd: {  	_ =	swait.ge [sflag:s5], $0x2000  }
0xe: {  	[sflag:s5] =	ssyncset.done $0x0  }
0xf: {  	[sflag:s5] =	ssyncadd.s32 $0xFFFFE000  }
0x10: {  	v1 =	vld [tilespmem:$0x0];
	_ =	sdelay $0x2  }
0x11: {  	s31 =	sshll.u32 s2, $0xC  }
0x12: {  	v0 =	vmov s31  }
0x13: {  	v4 =	vadd.s32 v0, v1  }
0x14: {  	v2 =	vshll.u32 v4, $0x2  }
0x15: {  	v3 =	vlaneseq.u32;
	v5 =	vand.u32 $0x7, v1;
	v2 =	vand.u32 $0xFFFFFFE0, v2  }
0x16: {  	v6 =	vshrl.u32 v3, $0x3;
	v1 =	vand.u32 $0x7, v3;
	v5 =	vor.u32 v5, v2  }
0x17: {  	v2 =	vmul.u32 $0x8, v6;
	v63 =	vperm.xlane v5, v1;
	_ =	sdelay $0x1  }
0x18: {  	v6 =	vadd.s32 v2, v63  }
0x19: {  	v3 =	vor.u32 $0x8, v3  }
0x1a: {  	s10 =	ssub.s32 $0x2, s8;
	v5 =	vperm.xlane v5, v3  }
0x1b: {  	s11 =	sshrl.u32 s10, $0x1  }
0x1c: {  	vm0 =	vmmov $0xffff;
	s11 =	ssub.s32 s10, s11;
	[tilespmem:$0x80] =	vst v4;
	v4 =	vadd.s32 v2, v5  }
0x1d: {  	[hbm4b:s1+s3] =	stream.indirect_vreg.scatter [tilespmem:s7], [sflag:$0x1], $0x80, v6, vm0, $0xb8;
	[tilespmem:$0x2100] =	vst v63  }
0x1e: {  	s8 =	sadd.s32 $0x100, s1;
	s9 =	simm.s32 $0x900;
	s13 =	smax.u32 s11, $0x1  }
0x1f: {  	[hbm4b:s8+s3] =	stream.indirect_vreg.scatter [tilespmem:s9], [sflag:$0x1], $0x80, v6, vm0, $0xb8;
	[tilespmem:$0x2100] =	vst v63  }
0x20: {  	s10 =	simm.s32 $0x1100;
	p0 =	sne.s32 s13, $0x1  }
0x21: {  	[hbm4b:s1+s3] =	stream.indirect_vreg.scatter [tilespmem:s10], [sflag:$0x1], $0x80, v4, vm0, $0xb8;
	[tilespmem:$0x2100] =	vst v63  }
.Ltmp0:
0x22: {  	_ = 	snop;
	(pc) =	sbr.rel @!p0 .LBB2_2-.Ltmp0, $4  }
0x23: {  	s12 =	simm.s32 $0x1900;
	s11 =	simm.s32 $0x1  }
0x24: {  	[hbm4b:s8+s3] =	stream.indirect_vreg.scatter [tilespmem:s12], [sflag:$0x1], $0x80, v4, vm0, $0xb8;
	[tilespmem:$0x2100] =	vst v63  }
0x25: {  	_ =	swait.ge [sflag:s11], $0x2000  }
0x26: {  	s13 =	sadd.s32 $0xFFFFFFFF, s13;
	[sflag:s11] =	ssyncset.done $0x0  }
.LBB2_1:
0x27: {  	p0 =	sne.s32 s13, $0x1;
	s13 =	sadd.s32 $0xFFFFFFFF, s13;
	[sflag:s11] =	ssyncadd.s32 $0xFFFFE000  }
0x28: {  	_ = 	snop  }
0x29: {  	[tilespmem:s3], [sflag:$0x2] =	stream.linear.gather [hbm4b:s4+s3], $0x10, $0x38;
	[tilespmem:$0x2100] =	vst v63  }
0x2a: {  	_ =	swait.ge [sflag:s5], $0x10  }
0x2b: {  	[sflag:s5] =	ssyncset.done $0x0  }
0x2c: {  	[sflag:s5] =	ssyncadd.s32 $0xFFFFFFF0  }
0x2d: {  	[tilespmem:s7], [sflag:$0x2] =	stream.linear.gather [hbm4b:s6+s3], $0x2000, $0x38;
	[tilespmem:$0x2100] =	vst v63  }
0x2e: {  	_ =	swait.ge [sflag:s5], $0x2000  }
0x2f: {  	[sflag:s5] =	ssyncset.done $0x0  }
0x30: {  	[sflag:s5] =	ssyncadd.s32 $0xFFFFE000  }
0x31: {  	v4 =	vld [tilespmem:$0x0];
	_ =	sdelay $0x4  }
0x32: {  	v5 =	vadd.s32 v0, v4  }
0x33: {  	v6 =	vshll.u32 v5, $0x2  }
0x34: {  	v4 =	vand.u32 $0x7, v4;
	v6 =	vand.u32 $0xFFFFFFE0, v6  }
0x35: {  	v4 =	vor.u32 v4, v6  }
0x36: {  	v6 =	vperm.xlane v4, v1;
	v4 =	vperm.xlane v4, v3;
	_ =	sdelay $0x1  }
0x37: {  	v6 =	vadd.s32 v2, v6;
	_ =	sdelay $0x3  }
0x38: {  	v4 =	vadd.s32 v2, v4;
	[tilespmem:$0x80] =	vst v5  }
0x39: {  	[hbm4b:s1+s3] =	stream.indirect_vreg.scatter [tilespmem:s7], [sflag:$0x1], $0x80, v6, vm0, $0xb8;
	[tilespmem:$0x2100] =	vst v63  }
0x3a: {  	_ = 	snop  }
0x3b: {  	[hbm4b:s8+s3] =	stream.indirect_vreg.scatter [tilespmem:s9], [sflag:$0x1], $0x80, v6, vm0, $0xb8;
	[tilespmem:$0x2100] =	vst v63  }
0x3c: {  	_ = 	snop  }
0x3d: {  	[hbm4b:s1+s3] =	stream.indirect_vreg.scatter [tilespmem:s10], [sflag:$0x1], $0x80, v4, vm0, $0xb8;
	[tilespmem:$0x2100] =	vst v63  }
.Ltmp1:
0x3e: {  	_ = 	snop;
	(pc) =	sbr.rel @p0 .LBB2_1-.Ltmp1, $4  }
0x3f: {  	_ = 	snop  }
0x40: {  	[hbm4b:s8+s3] =	stream.indirect_vreg.scatter [tilespmem:s12], [sflag:$0x1], $0x80, v4, vm0, $0xb8;
	[tilespmem:$0x2100] =	vst v63  }
0x41: {  	_ =	swait.ge [sflag:s11], $0x2000  }
0x42: {  	[sflag:s11] =	ssyncset.done $0x0  }
.LBB2_2:
0x43: {  	[sflag:s11] =	ssyncadd.s32 $0xFFFFE000  }
0x44: {  	_ =	sfence.sel $0x180000  }
0x45: {  	[bflag:$0x0] =	sbarrier.arrive $0xFFFF  }
0x46: {  	p0 =	sne.s32 s2, $0x0;
	_ =	strace $0x90000047  }
0x47: {  	s0 =	sadd.s32 @!p0 $0x100000, s0;
	[bflag:$0x2] =	sbarrier.arrive $0xFFFF  }
0x48: {  	[sflag:s0] =	ssyncadd.tile.s32 @!p0 $0x1;
	_ =	shalt  }
.Lfunc_end2:
_tile_overlayer_lowered:
.L_overlay_start_2:
0x49: {  	(tag) =	ssettag $0x2  }
0x4a: {  	s0 =	rddreg [dreg:$0x0];
	s2 =	stileid.u32  }
0x4b: {  	s1 =	rddreg [dreg:$0x1];
	p0 =	sne.s32 s2, $0x0  }
0x4c: {  	s3 =	rddreg [dreg:$0x2];
	[bflag:$0x3] =	sbarrier.arrive $0xFFFF;
	s2 =	simm.s32 @!p0 $0x1C02  }
0x4d: {  	[timem:s3], [sflag:s2] =	dma.local @!p0 [hbm:s0], s1  }
0x4e: {  	s0 =	simm.s32 @!p0 $0x2  }
0x4f: {  	_ =	swait.ge @!p0 [sflag:s0], s1  }
0x50: {  	s1 =	ssub.s32 @!p0 $0x0, s1;
	[sflag:s0] =	ssyncset.done @!p0 $0x0  }
0x51: {  	[sflag:s0] =	ssyncadd.s32 @!p0 s1  }
0x52: {  	[bflag:$0x3] =	sbarrier.arrive $0xFFFF  }
0x53: {  	_ =	shalt  }

</sc_bundles>
